<compile_context>
chip_gen: v7x
topology: tpu7x:2x2x1
jax: 0.10.2.dev20260603
libtpu: 0.0.44.dev20260713+nightly
codegen_flags: <defaults>
</compile_context>

<pallas_src>
import functools
import math

import jax
import jax.numpy as jnp
from jax import lax
from jax.experimental import pallas as pl
from jax.experimental.pallas import tpu as pltpu
from jax.experimental.pallas import tpu_sc as plsc

TWO_PI = 2.0 * math.pi


def _make_sc_phi(batch):
    info = plsc.get_sparse_core_info()
    nc, ns, lanes = info.num_cores, info.num_subcores, info.num_lanes
    nw = nc * ns
    assert batch % (8 * nw) == 0
    b_per_w = batch // nw
    assert b_per_w % lanes == 0
    mesh = plsc.VectorSubcoreMesh(core_axis_name="c", subcore_axis_name="s")

    @functools.partial(
        pl.kernel,
        mesh=mesh,
        out_type=jax.ShapeDtypeStruct((batch,), jnp.float32),
        scratch_types=[
            pltpu.VMEM((b_per_w,), jnp.int32),
            pltpu.VMEM((b_per_w,), jnp.int32),
            pltpu.VMEM((b_per_w,), jnp.float32),
            pltpu.VMEM((b_per_w,), jnp.float32),
            pltpu.SemaphoreType.DMA,
            pltpu.SemaphoreType.DMA,
        ],
    )
    def sc_phi(x1_hbm, x2_hbm, ip_hbm, out_hbm, idx1_v, idx2_v, p1_v, p2_v,
               sem1, sem2):
        wid = lax.axis_index("s") * nc + lax.axis_index("c")
        span = pl.ds(wid * b_per_w, b_per_w)
        c1 = pltpu.async_copy(x1_hbm.at[span], idx1_v, sem1)
        c2 = pltpu.async_copy(x2_hbm.at[span], idx2_v, sem2)
        c1.wait()
        g1 = pltpu.async_copy(ip_hbm.at[idx1_v], p1_v, sem1)
        c2.wait()
        g2 = pltpu.async_copy(ip_hbm.at[idx2_v], p2_v, sem2)
        g1.wait()
        g2.wait()
        for i in range(b_per_w // lanes):
            sl = pl.ds(i * lanes, lanes)
            s = p1_v[sl] + p2_v[sl]
            p1_v[sl] = jnp.where(s >= TWO_PI, s - TWO_PI, s)
        pltpu.sync_copy(p1_v, out_hbm.at[span])

    return sc_phi


_NBUF = 4


def _tc_dense(phi, output_phases, block_rows):
    batch = phi.shape[0]
    k = output_phases.shape[0]
    nsteps = batch // block_rows
    assert nsteps % _NBUF == 0

    def body(phi_ref, op_ref, out_ref, bufs, sems):
        i = pl.program_id(0)
        n = pl.num_programs(0)
        slot = lax.rem(i, _NBUF)

        @pl.when(i >= _NBUF)
        def _():
            pltpu.make_async_copy(
                bufs.at[slot], out_ref.at[pl.ds(0, block_rows)], sems.at[slot]
            ).wait()

        d = jnp.abs(phi_ref[...] - op_ref[...])
        bufs[slot] = -jnp.minimum(d, TWO_PI - d)
        pltpu.make_async_copy(
            bufs.at[slot], out_ref.at[pl.ds(i * block_rows, block_rows)],
            sems.at[slot],
        ).start()

        @pl.when(i == n - 1)
        def _():
            for s in range(_NBUF):
                pltpu.make_async_copy(
                    bufs.at[s], out_ref.at[pl.ds(0, block_rows)], sems.at[s]
                ).wait()

    return pl.pallas_call(
        body,
        grid=(nsteps,),
        in_specs=[
            pl.BlockSpec((block_rows, 1), lambda i: (i, 0)),
            pl.BlockSpec((1, k), lambda i: (0, 0)),
        ],
        out_specs=pl.BlockSpec(memory_space=pl.ANY),
        out_shape=jax.ShapeDtypeStruct((batch, k), jnp.float32),
        scratch_shapes=[
            pltpu.VMEM((_NBUF, block_rows, k), jnp.float32),
            pltpu.SemaphoreType.DMA((_NBUF,)),
        ],
    )(phi.reshape(batch, 1), output_phases.reshape(1, k))


def kernel(x1, x2, input_phases, output_phases):
    x1 = x1.astype(jnp.int32)
    x2 = x2.astype(jnp.int32)
    input_phases = input_phases.astype(jnp.float32)
    output_phases = output_phases.astype(jnp.float32)
    batch = x1.shape[0]
    sc_phi = _make_sc_phi(batch)
    phi = sc_phi(x1, x2, input_phases)
    return _tc_dense(phi, output_phases, block_rows=2048)

# --- scband reference (transcript-rebuilt; emitter-appended) ---
"""Pipeline reference for scband-zk-bundle-noisy-53678501266222 (READ-ONLY COPY).

The authoritative reference and input builder live on the scoring server;
editing this copy changes nothing except your own understanding.
"""

import math
import jax, jax.numpy as jnp
import numpy as np

K = 1000
B = 16384
TWO_PI = 2.0 * math.pi

def setup_inputs(seed: int = 0) -> dict:
    key = jax.random.key(seed)
    k1, k2 = jax.random.split(key, 2)
    x1 = jax.random.randint(k1, (B,), 0, K, dtype=jnp.int64) if jax.config.jax_enable_x64 else jax.random.randint(k1, (B,), 0, K).astype(jnp.int32)
    x2 = jax.random.randint(k2, (B,), 0, K).astype(x1.dtype)
    input_phases = (jnp.arange(K, dtype=jnp.float32) * (TWO_PI / K))
    output_phases = (jnp.arange(K, dtype=jnp.float32) * (TWO_PI / K))
    return {"x1": x1, "x2": x2, "input_phases": input_phases, "output_phases": output_phases}

def reference(x1, x2, input_phases, output_phases):
    # noise_sigma = 0.0, so the noise branch is skipped (matches torch code path)
    p1 = jnp.take(input_phases, x1, axis=0)
    p2 = jnp.take(input_phases, x2, axis=0)
    phi = (p1 + p2) % TWO_PI
    dists = jnp.abs(phi[:, None] - output_phases[None, :])
    dists = dists % TWO_PI
    dists = jnp.minimum(dists, TWO_PI - dists)
    return -dists

if __name__ == "__main__":
    import jax
    _d = setup_inputs()
    print(jax.jit(kernel)(*tuple(_d.values())))

</pallas_src>

<mosaic_0001>
#map = affine_map<(d0, d1) -> (0)>
module attributes {stable_mosaic.version = 14 : i64} {
  func.func @sc_phi(%arg0: i32, %arg1: i32, %arg2: memref<16384xi32, #tpu.memory_space<hbm>>, %arg3: memref<16384xi32, #tpu.memory_space<hbm>>, %arg4: memref<1000xf32, #tpu.memory_space<hbm>>, %arg5: memref<16384xf32, #tpu.memory_space<hbm>>, %arg6: memref<512xi32, #tpu.memory_space<vmem>>, %arg7: memref<512xi32, #tpu.memory_space<vmem>>, %arg8: memref<512xf32, #tpu.memory_space<vmem>>, %arg9: memref<512xf32, #tpu.memory_space<vmem>>, %arg10: memref<!tpu.dma_semaphore, #tpu.memory_space<semaphore_mem>>, %arg11: memref<!tpu.dma_semaphore, #tpu.memory_space<semaphore_mem>>) attributes {dimension_semantics = [#tpu.dimension_semantics<core_parallel>, #tpu.dimension_semantics<subcore_parallel>], iteration_bounds = array<i64: 2, 16>, scalar_prefetch = 0 : i64, scratch_operands = 6 : i64, tpu.core_type = #tpu.core_type<sc_vector_subcore>, window_params = [{transform_indices = #map}, {transform_indices = #map}, {transform_indices = #map}, {transform_indices = #map}]} {
    %mul3A = arith.constant 2 : i32
    %mul3A_0 = arith.muli %arg1, %mul3A : i32
    %add3A = arith.addi %mul3A_0, %arg0 : i32
    %mul3A_1 = arith.constant 512 : i32
    %mul3A_2 = arith.muli %add3A, %mul3A_1 : i32
    %dma_start3A = tpu.memref_slice %arg2[%mul3A_2] : memref<16384xi32, #tpu.memory_space<hbm>> -> memref<512xi32, #tpu.memory_space<hbm>>
    %dma_start3A_3 = tpu.memref_slice %arg2[%mul3A_2] : memref<16384xi32, #tpu.memory_space<hbm>> -> memref<512xi32, #tpu.memory_space<hbm>>
    tpu.enqueue_dma source(%dma_start3A_3 : memref<512xi32, #tpu.memory_space<hbm>>) target(%arg6 : memref<512xi32, #tpu.memory_space<vmem>>) target_semaphore(%arg10 : memref<!tpu.dma_semaphore, #tpu.memory_space<semaphore_mem>>)
    %dma_start3A_4 = tpu.memref_slice %arg3[%mul3A_2] : memref<16384xi32, #tpu.memory_space<hbm>> -> memref<512xi32, #tpu.memory_space<hbm>>
    %dma_start3A_5 = tpu.memref_slice %arg3[%mul3A_2] : memref<16384xi32, #tpu.memory_space<hbm>> -> memref<512xi32, #tpu.memory_space<hbm>>
    tpu.enqueue_dma source(%dma_start3A_5 : memref<512xi32, #tpu.memory_space<hbm>>) target(%arg7 : memref<512xi32, #tpu.memory_space<vmem>>) target_semaphore(%arg11 : memref<!tpu.dma_semaphore, #tpu.memory_space<semaphore_mem>>)
    %dma_wait3A = tpu.memref_slice %arg2[%mul3A_2] : memref<16384xi32, #tpu.memory_space<hbm>> -> memref<512xi32, #tpu.memory_space<hbm>>
    %dma_wait3A_6 = tpu.memref_slice %arg2[%mul3A_2] : memref<16384xi32, #tpu.memory_space<hbm>> -> memref<512xi32, #tpu.memory_space<hbm>>
    tpu.wait_dma2 semaphore(%arg10 : memref<!tpu.dma_semaphore, #tpu.memory_space<semaphore_mem>>) src(%dma_wait3A_6 : memref<512xi32, #tpu.memory_space<hbm>>) dst(%arg6 : memref<512xi32, #tpu.memory_space<vmem>>)
    %dma_start3A_7 = arith.constant 0 : i32
    %dma_start3A_8 = tpu.memref_slice %arg4[%dma_start3A_7] : memref<1000xf32, #tpu.memory_space<hbm>> -> memref<1000xf32, #tpu.memory_space<hbm>>
    tpu.enqueue_indirect_dma source(%dma_start3A_8 : memref<1000xf32, #tpu.memory_space<hbm>>) target(%arg8 : memref<512xf32, #tpu.memory_space<vmem>>) offsets(%arg6 : memref<512xi32, #tpu.memory_space<vmem>>) semaphore(%arg10 : memref<!tpu.dma_semaphore, #tpu.memory_space<semaphore_mem>>)
    %dma_wait3A_9 = tpu.memref_slice %arg3[%mul3A_2] : memref<16384xi32, #tpu.memory_space<hbm>> -> memref<512xi32, #tpu.memory_space<hbm>>
    %dma_wait3A_10 = tpu.memref_slice %arg3[%mul3A_2] : memref<16384xi32, #tpu.memory_space<hbm>> -> memref<512xi32, #tpu.memory_space<hbm>>
    tpu.wait_dma2 semaphore(%arg11 : memref<!tpu.dma_semaphore, #tpu.memory_space<semaphore_mem>>) src(%dma_wait3A_10 : memref<512xi32, #tpu.memory_space<hbm>>) dst(%arg7 : memref<512xi32, #tpu.memory_space<vmem>>)
    %dma_start3A_11 = arith.constant 0 : i32
    %dma_start3A_12 = tpu.memref_slice %arg4[%dma_start3A_11] : memref<1000xf32, #tpu.memory_space<hbm>> -> memref<1000xf32, #tpu.memory_space<hbm>>
    tpu.enqueue_indirect_dma source(%dma_start3A_12 : memref<1000xf32, #tpu.memory_space<hbm>>) target(%arg9 : memref<512xf32, #tpu.memory_space<vmem>>) offsets(%arg7 : memref<512xi32, #tpu.memory_space<vmem>>) semaphore(%arg11 : memref<!tpu.dma_semaphore, #tpu.memory_space<semaphore_mem>>)
    %dma_wait3A_13 = arith.constant 0 : i32
    %dma_wait3A_14 = tpu.memref_slice %arg4[%dma_wait3A_13] : memref<1000xf32, #tpu.memory_space<hbm>> -> memref<1000xf32, #tpu.memory_space<hbm>>
    tpu.wait_indirect_dma semaphore(%arg10 : memref<!tpu.dma_semaphore, #tpu.memory_space<semaphore_mem>>) src(%dma_wait3A_14 : memref<1000xf32, #tpu.memory_space<hbm>>) dst(%arg8 : memref<512xf32, #tpu.memory_space<vmem>>)
    %dma_wait3A_15 = arith.constant 0 : i32
    %dma_wait3A_16 = tpu.memref_slice %arg4[%dma_wait3A_15] : memref<1000xf32, #tpu.memory_space<hbm>> -> memref<1000xf32, #tpu.memory_space<hbm>>
    tpu.wait_indirect_dma semaphore(%arg11 : memref<!tpu.dma_semaphore, #tpu.memory_space<semaphore_mem>>) src(%dma_wait3A_16 : memref<1000xf32, #tpu.memory_space<hbm>>) dst(%arg9 : memref<512xf32, #tpu.memory_space<vmem>>)
    %get3A = arith.constant 0 : index
    %get3A_17 = tpu.vector_load %arg8[%get3A] {strides = array<i32>} : memref<512xf32, #tpu.memory_space<vmem>>, vector<16xf32>,
    %get3A_18 = vector.shape_cast %get3A_17 : vector<16xf32> to vector<16xf32>
    %get3A_19 = arith.constant 0 : index
    %get3A_20 = tpu.vector_load %arg9[%get3A_19] {strides = array<i32>} : memref<512xf32, #tpu.memory_space<vmem>>, vector<16xf32>,
    %get3A_21 = vector.shape_cast %get3A_20 : vector<16xf32> to vector<16xf32>
    %add3A_22 = arith.addf %get3A_18, %get3A_21 : vector<16xf32>
    %ge3A = arith.constant 6.28318548 : f32
    %ge3A_23 = vector.broadcast %ge3A : f32 to vector<16xf32>
    %ge3A_24 = arith.cmpf oge, %add3A_22, %ge3A_23 : vector<16xf32>
    %sub3A = arith.constant 6.28318548 : f32
    %sub3A_25 = vector.broadcast %sub3A : f32 to vector<16xf32>
    %sub3A_26 = arith.subf %add3A_22, %sub3A_25 : vector<16xf32>
    %select_n3A = arith.select %ge3A_24, %sub3A_26, %add3A_22 : vector<16xi1>, vector<16xf32>
    %swap3A = arith.constant 0 : index
    %swap3A_27 = tpu.vector_load %arg8[%swap3A] {strides = array<i32>} : memref<512xf32, #tpu.memory_space<vmem>>, vector<16xf32>,
    %swap3A_28 = vector.shape_cast %swap3A_27 : vector<16xf32> to vector<16xf32>
    %swap3A_29 = vector.shape_cast %select_n3A : vector<16xf32> to vector<16xf32>
    tpu.vector_store %arg8[%swap3A], %swap3A_29 {strides = array<i32>} : memref<512xf32, #tpu.memory_space<vmem>>, vector<16xf32>,
    %get3A_30 = arith.constant 16 : index
    %get3A_31 = tpu.vector_load %arg8[%get3A_30] {strides = array<i32>} : memref<512xf32, #tpu.memory_space<vmem>>, vector<16xf32>,
    %get3A_32 = vector.shape_cast %get3A_31 : vector<16xf32> to vector<16xf32>
    %get3A_33 = arith.constant 16 : index
    %get3A_34 = tpu.vector_load %arg9[%get3A_33] {strides = array<i32>} : memref<512xf32, #tpu.memory_space<vmem>>, vector<16xf32>,
    %get3A_35 = vector.shape_cast %get3A_34 : vector<16xf32> to vector<16xf32>
    %add3A_36 = arith.addf %get3A_32, %get3A_35 : vector<16xf32>
    %ge3A_37 = arith.constant 6.28318548 : f32
    %ge3A_38 = vector.broadcast %ge3A_37 : f32 to vector<16xf32>
    %ge3A_39 = arith.cmpf oge, %add3A_36, %ge3A_38 : vector<16xf32>
    %sub3A_40 = arith.constant 6.28318548 : f32
    %sub3A_41 = vector.broadcast %sub3A_40 : f32 to vector<16xf32>
    %sub3A_42 = arith.subf %add3A_36, %sub3A_41 : vector<16xf32>
    %select_n3A_43 = arith.select %ge3A_39, %sub3A_42, %add3A_36 : vector<16xi1>, vector<16xf32>
    %swap3A_44 = arith.constant 16 : index
    %swap3A_45 = tpu.vector_load %arg8[%swap3A_44] {strides = array<i32>} : memref<512xf32, #tpu.memory_space<vmem>>, vector<16xf32>,
    %swap3A_46 = vector.shape_cast %swap3A_45 : vector<16xf32> to vector<16xf32>
    %swap3A_47 = vector.shape_cast %select_n3A_43 : vector<16xf32> to vector<16xf32>
    tpu.vector_store %arg8[%swap3A_44], %swap3A_47 {strides = array<i32>} : memref<512xf32, #tpu.memory_space<vmem>>, vector<16xf32>,
    %get3A_48 = arith.constant 32 : index
    %get3A_49 = tpu.vector_load %arg8[%get3A_48] {strides = array<i32>} : memref<512xf32, #tpu.memory_space<vmem>>, vector<16xf32>,
    %get3A_50 = vector.shape_cast %get3A_49 : vector<16xf32> to vector<16xf32>
    %get3A_51 = arith.constant 32 : index
    %get3A_52 = tpu.vector_load %arg9[%get3A_51] {strides = array<i32>} : memref<512xf32, #tpu.memory_space<vmem>>, vector<16xf32>,
    %get3A_53 = vector.shape_cast %get3A_52 : vector<16xf32> to vector<16xf32>
    %add3A_54 = arith.addf %get3A_50, %get3A_53 : vector<16xf32>
    %ge3A_55 = arith.constant 6.28318548 : f32
    %ge3A_56 = vector.broadcast %ge3A_55 : f32 to vector<16xf32>
    %ge3A_57 = arith.cmpf oge, %add3A_54, %ge3A_56 : vector<16xf32>
    %sub3A_58 = arith.constant 6.28318548 : f32
    %sub3A_59 = vector.broadcast %sub3A_58 : f32 to vector<16xf32>
    %sub3A_60 = arith.subf %add3A_54, %sub3A_59 : vector<16xf32>
    %select_n3A_61 = arith.select %ge3A_57, %sub3A_60, %add3A_54 : vector<16xi1>, vector<16xf32>
    %swap3A_62 = arith.constant 32 : index
    %swap3A_63 = tpu.vector_load %arg8[%swap3A_62] {strides = array<i32>} : memref<512xf32, #tpu.memory_space<vmem>>, vector<16xf32>,
    %swap3A_64 = vector.shape_cast %swap3A_63 : vector<16xf32> to vector<16xf32>
    %swap3A_65 = vector.shape_cast %select_n3A_61 : vector<16xf32> to vector<16xf32>
    tpu.vector_store %arg8[%swap3A_62], %swap3A_65 {strides = array<i32>} : memref<512xf32, #tpu.memory_space<vmem>>, vector<16xf32>,
    %get3A_66 = arith.constant 48 : index
    %get3A_67 = tpu.vector_load %arg8[%get3A_66] {strides = array<i32>} : memref<512xf32, #tpu.memory_space<vmem>>, vector<16xf32>,
    %get3A_68 = vector.shape_cast %get3A_67 : vector<16xf32> to vector<16xf32>
    %get3A_69 = arith.constant 48 : index
    %get3A_70 = tpu.vector_load %arg9[%get3A_69] {strides = array<i32>} : memref<512xf32, #tpu.memory_space<vmem>>, vector<16xf32>,
    %get3A_71 = vector.shape_cast %get3A_70 : vector<16xf32> to vector<16xf32>
    %add3A_72 = arith.addf %get3A_68, %get3A_71 : vector<16xf32>
    %ge3A_73 = arith.constant 6.28318548 : f32
    %ge3A_74 = vector.broadcast %ge3A_73 : f32 to vector<16xf32>
    %ge3A_75 = arith.cmpf oge, %add3A_72, %ge3A_74 : vector<16xf32>
    %sub3A_76 = arith.constant 6.28318548 : f32
    %sub3A_77 = vector.broadcast %sub3A_76 : f32 to vector<16xf32>
    %sub3A_78 = arith.subf %add3A_72, %sub3A_77 : vector<16xf32>
    %select_n3A_79 = arith.select %ge3A_75, %sub3A_78, %add3A_72 : vector<16xi1>, vector<16xf32>
    %swap3A_80 = arith.constant 48 : index
    %swap3A_81 = tpu.vector_load %arg8[%swap3A_80] {strides = array<i32>} : memref<512xf32, #tpu.memory_space<vmem>>, vector<16xf32>,
    %swap3A_82 = vector.shape_cast %swap3A_81 : vector<16xf32> to vector<16xf32>
    %swap3A_83 = vector.shape_cast %select_n3A_79 : vector<16xf32> to vector<16xf32>
    tpu.vector_store %arg8[%swap3A_80], %swap3A_83 {strides = array<i32>} : memref<512xf32, #tpu.memory_space<vmem>>, vector<16xf32>,
    %get3A_84 = arith.constant 64 : index
    %get3A_85 = tpu.vector_load %arg8[%get3A_84] {strides = array<i32>} : memref<512xf32, #tpu.memory_space<vmem>>, vector<16xf32>,
    %get3A_86 = vector.shape_cast %get3A_85 : vector<16xf32> to vector<16xf32>
    %get3A_87 = arith.constant 64 : index
    %get3A_88 = tpu.vector_load %arg9[%get3A_87] {strides = array<i32>} : memref<512xf32, #tpu.memory_space<vmem>>, vector<16xf32>,
    %get3A_89 = vector.shape_cast %get3A_88 : vector<16xf32> to vector<16xf32>
    %add3A_90 = arith.addf %get3A_86, %get3A_89 : vector<16xf32>
    %ge3A_91 = arith.constant 6.28318548 : f32
    %ge3A_92 = vector.broadcast %ge3A_91 : f32 to vector<16xf32>
    %ge3A_93 = arith.cmpf oge, %add3A_90, %ge3A_92 : vector<16xf32>
    %sub3A_94 = arith.constant 6.28318548 : f32
    %sub3A_95 = vector.broadcast %sub3A_94 : f32 to vector<16xf32>
    %sub3A_96 = arith.subf %add3A_90, %sub3A_95 : vector<16xf32>
    %select_n3A_97 = arith.select %ge3A_93, %sub3A_96, %add3A_90 : vector<16xi1>, vector<16xf32>
    %swap3A_98 = arith.constant 64 : index
    %swap3A_99 = tpu.vector_load %arg8[%swap3A_98] {strides = array<i32>} : memref<512xf32, #tpu.memory_space<vmem>>, vector<16xf32>,
    %swap3A_100 = vector.shape_cast %swap3A_99 : vector<16xf32> to vector<16xf32>
    %swap3A_101 = vector.shape_cast %select_n3A_97 : vector<16xf32> to vector<16xf32>
    tpu.vector_store %arg8[%swap3A_98], %swap3A_101 {strides = array<i32>} : memref<512xf32, #tpu.memory_space<vmem>>, vector<16xf32>,
    %get3A_102 = arith.constant 80 : index
    %get3A_103 = tpu.vector_load %arg8[%get3A_102] {strides = array<i32>} : memref<512xf32, #tpu.memory_space<vmem>>, vector<16xf32>,
    %get3A_104 = vector.shape_cast %get3A_103 : vector<16xf32> to vector<16xf32>
    %get3A_105 = arith.constant 80 : index
    %get3A_106 = tpu.vector_load %arg9[%get3A_105] {strides = array<i32>} : memref<512xf32, #tpu.memory_space<vmem>>, vector<16xf32>,
    %get3A_107 = vector.shape_cast %get3A_106 : vector<16xf32> to vector<16xf32>
    %add3A_108 = arith.addf %get3A_104, %get3A_107 : vector<16xf32>
    %ge3A_109 = arith.constant 6.28318548 : f32
    %ge3A_110 = vector.broadcast %ge3A_109 : f32 to vector<16xf32>
    %ge3A_111 = arith.cmpf oge, %add3A_108, %ge3A_110 : vector<16xf32>
    %sub3A_112 = arith.constant 6.28318548 : f32
    %sub3A_113 = vector.broadcast %sub3A_112 : f32 to vector<16xf32>
    %sub3A_114 = arith.subf %add3A_108, %sub3A_113 : vector<16xf32>
    %select_n3A_115 = arith.select %ge3A_111, %sub3A_114, %add3A_108 : vector<16xi1>, vector<16xf32>
    %swap3A_116 = arith.constant 80 : index
    %swap3A_117 = tpu.vector_load %arg8[%swap3A_116] {strides = array<i32>} : memref<512xf32, #tpu.memory_space<vmem>>, vector<16xf32>,
    %swap3A_118 = vector.shape_cast %swap3A_117 : vector<16xf32> to vector<16xf32>
    %swap3A_119 = vector.shape_cast %select_n3A_115 : vector<16xf32> to vector<16xf32>
    tpu.vector_store %arg8[%swap3A_116], %swap3A_119 {strides = array<i32>} : memref<512xf32, #tpu.memory_space<vmem>>, vector<16xf32>,
    %get3A_120 = arith.constant 96 : index
    %get3A_121 = tpu.vector_load %arg8[%get3A_120] {strides = array<i32>} : memref<512xf32, #tpu.memory_space<vmem>>, vector<16xf32>,
    %get3A_122 = vector.shape_cast %get3A_121 : vector<16xf32> to vector<16xf32>
    %get3A_123 = arith.constant 96 : index
    %get3A_124 = tpu.vector_load %arg9[%get3A_123] {strides = array<i32>} : memref<512xf32, #tpu.memory_space<vmem>>, vector<16xf32>,
    %get3A_125 = vector.shape_cast %get3A_124 : vector<16xf32> to vector<16xf32>
    %add3A_126 = arith.addf %get3A_122, %get3A_125 : vector<16xf32>
    %ge3A_127 = arith.constant 6.28318548 : f32
    %ge3A_128 = vector.broadcast %ge3A_127 : f32 to vector<16xf32>
    %ge3A_129 = arith.cmpf oge, %add3A_126, %ge3A_128 : vector<16xf32>
    %sub3A_130 = arith.constant 6.28318548 : f32
    %sub3A_131 = vector.broadcast %sub3A_130 : f32 to vector<16xf32>
    %sub3A_132 = arith.subf %add3A_126, %sub3A_131 : vector<16xf32>
    %select_n3A_133 = arith.select %ge3A_129, %sub3A_132, %add3A_126 : vector<16xi1>, vector<16xf32>
    %swap3A_134 = arith.constant 96 : index
    %swap3A_135 = tpu.vector_load %arg8[%swap3A_134] {strides = array<i32>} : memref<512xf32, #tpu.memory_space<vmem>>, vector<16xf32>,
    %swap3A_136 = vector.shape_cast %swap3A_135 : vector<16xf32> to vector<16xf32>
    %swap3A_137 = vector.shape_cast %select_n3A_133 : vector<16xf32> to vector<16xf32>
    tpu.vector_store %arg8[%swap3A_134], %swap3A_137 {strides = array<i32>} : memref<512xf32, #tpu.memory_space<vmem>>, vector<16xf32>,
    %get3A_138 = arith.constant 112 : index
    %get3A_139 = tpu.vector_load %arg8[%get3A_138] {strides = array<i32>} : memref<512xf32, #tpu.memory_space<vmem>>, vector<16xf32>,
    %get3A_140 = vector.shape_cast %get3A_139 : vector<16xf32> to vector<16xf32>
    %get3A_141 = arith.constant 112 : index
    %get3A_142 = tpu.vector_load %arg9[%get3A_141] {strides = array<i32>} : memref<512xf32, #tpu.memory_space<vmem>>, vector<16xf32>,
    %get3A_143 = vector.shape_cast %get3A_142 : vector<16xf32> to vector<16xf32>
    %add3A_144 = arith.addf %get3A_140, %get3A_143 : vector<16xf32>
    %ge3A_145 = arith.constant 6.28318548 : f32
    %ge3A_146 = vector.broadcast %ge3A_145 : f32 to vector<16xf32>
    %ge3A_147 = arith.cmpf oge, %add3A_144, %ge3A_146 : vector<16xf32>
    %sub3A_148 = arith.constant 6.28318548 : f32
    %sub3A_149 = vector.broadcast %sub3A_148 : f32 to vector<16xf32>
    %sub3A_150 = arith.subf %add3A_144, %sub3A_149 : vector<16xf32>
    %select_n3A_151 = arith.select %ge3A_147, %sub3A_150, %add3A_144 : vector<16xi1>, vector<16xf32>
    %swap3A_152 = arith.constant 112 : index
    %swap3A_153 = tpu.vector_load %arg8[%swap3A_152] {strides = array<i32>} : memref<512xf32, #tpu.memory_space<vmem>>, vector<16xf32>,
    %swap3A_154 = vector.shape_cast %swap3A_153 : vector<16xf32> to vector<16xf32>
    %swap3A_155 = vector.shape_cast %select_n3A_151 : vector<16xf32> to vector<16xf32>
    tpu.vector_store %arg8[%swap3A_152], %swap3A_155 {strides = array<i32>} : memref<512xf32, #tpu.memory_space<vmem>>, vector<16xf32>,
    %get3A_156 = arith.constant 128 : index
    %get3A_157 = tpu.vector_load %arg8[%get3A_156] {strides = array<i32>} : memref<512xf32, #tpu.memory_space<vmem>>, vector<16xf32>,
    %get3A_158 = vector.shape_cast %get3A_157 : vector<16xf32> to vector<16xf32>
    %get3A_159 = arith.constant 128 : index
    %get3A_160 = tpu.vector_load %arg9[%get3A_159] {strides = array<i32>} : memref<512xf32, #tpu.memory_space<vmem>>, vector<16xf32>,
    %get3A_161 = vector.shape_cast %get3A_160 : vector<16xf32> to vector<16xf32>
    %add3A_162 = arith.addf %get3A_158, %get3A_161 : vector<16xf32>
    %ge3A_163 = arith.constant 6.28318548 : f32
    %ge3A_164 = vector.broadcast %ge3A_163 : f32 to vector<16xf32>
    %ge3A_165 = arith.cmpf oge, %add3A_162, %ge3A_164 : vector<16xf32>
    %sub3A_166 = arith.constant 6.28318548 : f32
    %sub3A_167 = vector.broadcast %sub3A_166 : f32 to vector<16xf32>
    %sub3A_168 = arith.subf %add3A_162, %sub3A_167 : vector<16xf32>
    %select_n3A_169 = arith.select %ge3A_165, %sub3A_168, %add3A_162 : vector<16xi1>, vector<16xf32>
    %swap3A_170 = arith.constant 128 : index
    %swap3A_171 = tpu.vector_load %arg8[%swap3A_170] {strides = array<i32>} : memref<512xf32, #tpu.memory_space<vmem>>, vector<16xf32>,
    %swap3A_172 = vector.shape_cast %swap3A_171 : vector<16xf32> to vector<16xf32>
    %swap3A_173 = vector.shape_cast %select_n3A_169 : vector<16xf32> to vector<16xf32>
    tpu.vector_store %arg8[%swap3A_170], %swap3A_173 {strides = array<i32>} : memref<512xf32, #tpu.memory_space<vmem>>, vector<16xf32>,
    %get3A_174 = arith.constant 144 : index
    %get3A_175 = tpu.vector_load %arg8[%get3A_174] {strides = array<i32>} : memref<512xf32, #tpu.memory_space<vmem>>, vector<16xf32>,
    %get3A_176 = vector.shape_cast %get3A_175 : vector<16xf32> to vector<16xf32>
    %get3A_177 = arith.constant 144 : index
    %get3A_178 = tpu.vector_load %arg9[%get3A_177] {strides = array<i32>} : memref<512xf32, #tpu.memory_space<vmem>>, vector<16xf32>,
    %get3A_179 = vector.shape_cast %get3A_178 : vector<16xf32> to vector<16xf32>
    %add3A_180 = arith.addf %get3A_176, %get3A_179 : vector<16xf32>
    %ge3A_181 = arith.constant 6.28318548 : f32
    %ge3A_182 = vector.broadcast %ge3A_181 : f32 to vector<16xf32>
    %ge3A_183 = arith.cmpf oge, %add3A_180, %ge3A_182 : vector<16xf32>
    %sub3A_184 = arith.constant 6.28318548 : f32
    %sub3A_185 = vector.broadcast %sub3A_184 : f32 to vector<16xf32>
    %sub3A_186 = arith.subf %add3A_180, %sub3A_185 : vector<16xf32>
    %select_n3A_187 = arith.select %ge3A_183, %sub3A_186, %add3A_180 : vector<16xi1>, vector<16xf32>
    %swap3A_188 = arith.constant 144 : index
    %swap3A_189 = tpu.vector_load %arg8[%swap3A_188] {strides = array<i32>} : memref<512xf32, #tpu.memory_space<vmem>>, vector<16xf32>,
    %swap3A_190 = vector.shape_cast %swap3A_189 : vector<16xf32> to vector<16xf32>
    %swap3A_191 = vector.shape_cast %select_n3A_187 : vector<16xf32> to vector<16xf32>
    tpu.vector_store %arg8[%swap3A_188], %swap3A_191 {strides = array<i32>} : memref<512xf32, #tpu.memory_space<vmem>>, vector<16xf32>,
    %get3A_192 = arith.constant 160 : index
    %get3A_193 = tpu.vector_load %arg8[%get3A_192] {strides = array<i32>} : memref<512xf32, #tpu.memory_space<vmem>>, vector<16xf32>,
    %get3A_194 = vector.shape_cast %get3A_193 : vector<16xf32> to vector<16xf32>
    %get3A_195 = arith.constant 160 : index
    %get3A_196 = tpu.vector_load %arg9[%get3A_195] {strides = array<i32>} : memref<512xf32, #tpu.memory_space<vmem>>, vector<16xf32>,
    %get3A_197 = vector.shape_cast %get3A_196 : vector<16xf32> to vector<16xf32>
    %add3A_198 = arith.addf %get3A_194, %get3A_197 : vector<16xf32>
    %ge3A_199 = arith.constant 6.28318548 : f32
    %ge3A_200 = vector.broadcast %ge3A_199 : f32 to vector<16xf32>
    %ge3A_201 = arith.cmpf oge, %add3A_198, %ge3A_200 : vector<16xf32>
    %sub3A_202 = arith.constant 6.28318548 : f32
    %sub3A_203 = vector.broadcast %sub3A_202 : f32 to vector<16xf32>
    %sub3A_204 = arith.subf %add3A_198, %sub3A_203 : vector<16xf32>
    %select_n3A_205 = arith.select %ge3A_201, %sub3A_204, %add3A_198 : vector<16xi1>, vector<16xf32>
    %swap3A_206 = arith.constant 160 : index
    %swap3A_207 = tpu.vector_load %arg8[%swap3A_206] {strides = array<i32>} : memref<512xf32, #tpu.memory_space<vmem>>, vector<16xf32>,
    %swap3A_208 = vector.shape_cast %swap3A_207 : vector<16xf32> to vector<16xf32>
    %swap3A_209 = vector.shape_cast %select_n3A_205 : vector<16xf32> to vector<16xf32>
    tpu.vector_store %arg8[%swap3A_206], %swap3A_209 {strides = array<i32>} : memref<512xf32, #tpu.memory_space<vmem>>, vector<16xf32>,
    %get3A_210 = arith.constant 176 : index
    %get3A_211 = tpu.vector_load %arg8[%get3A_210] {strides = array<i32>} : memref<512xf32, #tpu.memory_space<vmem>>, vector<16xf32>,
    %get3A_212 = vector.shape_cast %get3A_211 : vector<16xf32> to vector<16xf32>
    %get3A_213 = arith.constant 176 : index
    %get3A_214 = tpu.vector_load %arg9[%get3A_213] {strides = array<i32>} : memref<512xf32, #tpu.memory_space<vmem>>, vector<16xf32>,
    %get3A_215 = vector.shape_cast %get3A_214 : vector<16xf32> to vector<16xf32>
    %add3A_216 = arith.addf %get3A_212, %get3A_215 : vector<16xf32>
    %ge3A_217 = arith.constant 6.28318548 : f32
    %ge3A_218 = vector.broadcast %ge3A_217 : f32 to vector<16xf32>
    %ge3A_219 = arith.cmpf oge, %add3A_216, %ge3A_218 : vector<16xf32>
    %sub3A_220 = arith.constant 6.28318548 : f32
    %sub3A_221 = vector.broadcast %sub3A_220 : f32 to vector<16xf32>
    %sub3A_222 = arith.subf %add3A_216, %sub3A_221 : vector<16xf32>
    %select_n3A_223 = arith.select %ge3A_219, %sub3A_222, %add3A_216 : vector<16xi1>, vector<16xf32>
    %swap3A_224 = arith.constant 176 : index
    %swap3A_225 = tpu.vector_load %arg8[%swap3A_224] {strides = array<i32>} : memref<512xf32, #tpu.memory_space<vmem>>, vector<16xf32>,
    %swap3A_226 = vector.shape_cast %swap3A_225 : vector<16xf32> to vector<16xf32>
    %swap3A_227 = vector.shape_cast %select_n3A_223 : vector<16xf32> to vector<16xf32>
    tpu.vector_store %arg8[%swap3A_224], %swap3A_227 {strides = array<i32>} : memref<512xf32, #tpu.memory_space<vmem>>, vector<16xf32>,
    %get3A_228 = arith.constant 192 : index
    %get3A_229 = tpu.vector_load %arg8[%get3A_228] {strides = array<i32>} : memref<512xf32, #tpu.memory_space<vmem>>, vector<16xf32>,
    %get3A_230 = vector.shape_cast %get3A_229 : vector<16xf32> to vector<16xf32>
    %get3A_231 = arith.constant 192 : index
    %get3A_232 = tpu.vector_load %arg9[%get3A_231] {strides = array<i32>} : memref<512xf32, #tpu.memory_space<vmem>>, vector<16xf32>,
    %get3A_233 = vector.shape_cast %get3A_232 : vector<16xf32> to vector<16xf32>
    %add3A_234 = arith.addf %get3A_230, %get3A_233 : vector<16xf32>
    %ge3A_235 = arith.constant 6.28318548 : f32
    %ge3A_236 = vector.broadcast %ge3A_235 : f32 to vector<16xf32>
    %ge3A_237 = arith.cmpf oge, %add3A_234, %ge3A_236 : vector<16xf32>
    %sub3A_238 = arith.constant 6.28318548 : f32
    %sub3A_239 = vector.broadcast %sub3A_238 : f32 to vector<16xf32>
    %sub3A_240 = arith.subf %add3A_234, %sub3A_239 : vector<16xf32>
    %select_n3A_241 = arith.select %ge3A_237, %sub3A_240, %add3A_234 : vector<16xi1>, vector<16xf32>
    %swap3A_242 = arith.constant 192 : index
    %swap3A_243 = tpu.vector_load %arg8[%swap3A_242] {strides = array<i32>} : memref<512xf32, #tpu.memory_space<vmem>>, vector<16xf32>,
    %swap3A_244 = vector.shape_cast %swap3A_243 : vector<16xf32> to vector<16xf32>
    %swap3A_245 = vector.shape_cast %select_n3A_241 : vector<16xf32> to vector<16xf32>
    tpu.vector_store %arg8[%swap3A_242], %swap3A_245 {strides = array<i32>} : memref<512xf32, #tpu.memory_space<vmem>>, vector<16xf32>,
    %get3A_246 = arith.constant 208 : index
    %get3A_247 = tpu.vector_load %arg8[%get3A_246] {strides = array<i32>} : memref<512xf32, #tpu.memory_space<vmem>>, vector<16xf32>,
    %get3A_248 = vector.shape_cast %get3A_247 : vector<16xf32> to vector<16xf32>
    %get3A_249 = arith.constant 208 : index
    %get3A_250 = tpu.vector_load %arg9[%get3A_249] {strides = array<i32>} : memref<512xf32, #tpu.memory_space<vmem>>, vector<16xf32>,
    %get3A_251 = vector.shape_cast %get3A_250 : vector<16xf32> to vector<16xf32>
    %add3A_252 = arith.addf %get3A_248, %get3A_251 : vector<16xf32>
    %ge3A_253 = arith.constant 6.28318548 : f32
    %ge3A_254 = vector.broadcast %ge3A_253 : f32 to vector<16xf32>
    %ge3A_255 = arith.cmpf oge, %add3A_252, %ge3A_254 : vector<16xf32>
    %sub3A_256 = arith.constant 6.28318548 : f32
    %sub3A_257 = vector.broadcast %sub3A_256 : f32 to vector<16xf32>
    %sub3A_258 = arith.subf %add3A_252, %sub3A_257 : vector<16xf32>
    %select_n3A_259 = arith.select %ge3A_255, %sub3A_258, %add3A_252 : vector<16xi1>, vector<16xf32>
    %swap3A_260 = arith.constant 208 : index
    %swap3A_261 = tpu.vector_load %arg8[%swap3A_260] {strides = array<i32>} : memref<512xf32, #tpu.memory_space<vmem>>, vector<16xf32>,
    %swap3A_262 = vector.shape_cast %swap3A_261 : vector<16xf32> to vector<16xf32>
    %swap3A_263 = vector.shape_cast %select_n3A_259 : vector<16xf32> to vector<16xf32>
    tpu.vector_store %arg8[%swap3A_260], %swap3A_263 {strides = array<i32>} : memref<512xf32, #tpu.memory_space<vmem>>, vector<16xf32>,
    %get3A_264 = arith.constant 224 : index
    %get3A_265 = tpu.vector_load %arg8[%get3A_264] {strides = array<i32>} : memref<512xf32, #tpu.memory_space<vmem>>, vector<16xf32>,
    %get3A_266 = vector.shape_cast %get3A_265 : vector<16xf32> to vector<16xf32>
    %get3A_267 = arith.constant 224 : index
    %get3A_268 = tpu.vector_load %arg9[%get3A_267] {strides = array<i32>} : memref<512xf32, #tpu.memory_space<vmem>>, vector<16xf32>,
    %get3A_269 = vector.shape_cast %get3A_268 : vector<16xf32> to vector<16xf32>
    %add3A_270 = arith.addf %get3A_266, %get3A_269 : vector<16xf32>
    %ge3A_271 = arith.constant 6.28318548 : f32
    %ge3A_272 = vector.broadcast %ge3A_271 : f32 to vector<16xf32>
    %ge3A_273 = arith.cmpf oge, %add3A_270, %ge3A_272 : vector<16xf32>
    %sub3A_274 = arith.constant 6.28318548 : f32
    %sub3A_275 = vector.broadcast %sub3A_274 : f32 to vector<16xf32>
    %sub3A_276 = arith.subf %add3A_270, %sub3A_275 : vector<16xf32>
    %select_n3A_277 = arith.select %ge3A_273, %sub3A_276, %add3A_270 : vector<16xi1>, vector<16xf32>
    %swap3A_278 = arith.constant 224 : index
    %swap3A_279 = tpu.vector_load %arg8[%swap3A_278] {strides = array<i32>} : memref<512xf32, #tpu.memory_space<vmem>>, vector<16xf32>,
    %swap3A_280 = vector.shape_cast %swap3A_279 : vector<16xf32> to vector<16xf32>
    %swap3A_281 = vector.shape_cast %select_n3A_277 : vector<16xf32> to vector<16xf32>
    tpu.vector_store %arg8[%swap3A_278], %swap3A_281 {strides = array<i32>} : memref<512xf32, #tpu.memory_space<vmem>>, vector<16xf32>,
    %get3A_282 = arith.constant 240 : index
    %get3A_283 = tpu.vector_load %arg8[%get3A_282] {strides = array<i32>} : memref<512xf32, #tpu.memory_space<vmem>>, vector<16xf32>,
    %get3A_284 = vector.shape_cast %get3A_283 : vector<16xf32> to vector<16xf32>
    %get3A_285 = arith.constant 240 : index
    %get3A_286 = tpu.vector_load %arg9[%get3A_285] {strides = array<i32>} : memref<512xf32, #tpu.memory_space<vmem>>, vector<16xf32>,
    %get3A_287 = vector.shape_cast %get3A_286 : vector<16xf32> to vector<16xf32>
    %add3A_288 = arith.addf %get3A_284, %get3A_287 : vector<16xf32>
    %ge3A_289 = arith.constant 6.28318548 : f32
    %ge3A_290 = vector.broadcast %ge3A_289 : f32 to vector<16xf32>
    %ge3A_291 = arith.cmpf oge, %add3A_288, %ge3A_290 : vector<16xf32>
    %sub3A_292 = arith.constant 6.28318548 : f32
    %sub3A_293 = vector.broadcast %sub3A_292 : f32 to vector<16xf32>
    %sub3A_294 = arith.subf %add3A_288, %sub3A_293 : vector<16xf32>
    %select_n3A_295 = arith.select %ge3A_291, %sub3A_294, %add3A_288 : vector<16xi1>, vector<16xf32>
    %swap3A_296 = arith.constant 240 : index
    %swap3A_297 = tpu.vector_load %arg8[%swap3A_296] {strides = array<i32>} : memref<512xf32, #tpu.memory_space<vmem>>, vector<16xf32>,
    %swap3A_298 = vector.shape_cast %swap3A_297 : vector<16xf32> to vector<16xf32>
    %swap3A_299 = vector.shape_cast %select_n3A_295 : vector<16xf32> to vector<16xf32>
    tpu.vector_store %arg8[%swap3A_296], %swap3A_299 {strides = array<i32>} : memref<512xf32, #tpu.memory_space<vmem>>, vector<16xf32>,
    %get3A_300 = arith.constant 256 : index
    %get3A_301 = tpu.vector_load %arg8[%get3A_300] {strides = array<i32>} : memref<512xf32, #tpu.memory_space<vmem>>, vector<16xf32>,
    %get3A_302 = vector.shape_cast %get3A_301 : vector<16xf32> to vector<16xf32>
    %get3A_303 = arith.constant 256 : index
    %get3A_304 = tpu.vector_load %arg9[%get3A_303] {strides = array<i32>} : memref<512xf32, #tpu.memory_space<vmem>>, vector<16xf32>,
    %get3A_305 = vector.shape_cast %get3A_304 : vector<16xf32> to vector<16xf32>
    %add3A_306 = arith.addf %get3A_302, %get3A_305 : vector<16xf32>
    %ge3A_307 = arith.constant 6.28318548 : f32
    %ge3A_308 = vector.broadcast %ge3A_307 : f32 to vector<16xf32>
    %ge3A_309 = arith.cmpf oge, %add3A_306, %ge3A_308 : vector<16xf32>
    %sub3A_310 = arith.constant 6.28318548 : f32
    %sub3A_311 = vector.broadcast %sub3A_310 : f32 to vector<16xf32>
    %sub3A_312 = arith.subf %add3A_306, %sub3A_311 : vector<16xf32>
    %select_n3A_313 = arith.select %ge3A_309, %sub3A_312, %add3A_306 : vector<16xi1>, vector<16xf32>
    %swap3A_314 = arith.constant 256 : index
    %swap3A_315 = tpu.vector_load %arg8[%swap3A_314] {strides = array<i32>} : memref<512xf32, #tpu.memory_space<vmem>>, vector<16xf32>,
    %swap3A_316 = vector.shape_cast %swap3A_315 : vector<16xf32> to vector<16xf32>
    %swap3A_317 = vector.shape_cast %select_n3A_313 : vector<16xf32> to vector<16xf32>
    tpu.vector_store %arg8[%swap3A_314], %swap3A_317 {strides = array<i32>} : memref<512xf32, #tpu.memory_space<vmem>>, vector<16xf32>,
    %get3A_318 = arith.constant 272 : index
    %get3A_319 = tpu.vector_load %arg8[%get3A_318] {strides = array<i32>} : memref<512xf32, #tpu.memory_space<vmem>>, vector<16xf32>,
    %get3A_320 = vector.shape_cast %get3A_319 : vector<16xf32> to vector<16xf32>
    %get3A_321 = arith.constant 272 : index
    %get3A_322 = tpu.vector_load %arg9[%get3A_321] {strides = array<i32>} : memref<512xf32, #tpu.memory_space<vmem>>, vector<16xf32>,
    %get3A_323 = vector.shape_cast %get3A_322 : vector<16xf32> to vector<16xf32>
    %add3A_324 = arith.addf %get3A_320, %get3A_323 : vector<16xf32>
    %ge3A_325 = arith.constant 6.28318548 : f32
    %ge3A_326 = vector.broadcast %ge3A_325 : f32 to vector<16xf32>
    %ge3A_327 = arith.cmpf oge, %add3A_324, %ge3A_326 : vector<16xf32>
    %sub3A_328 = arith.constant 6.28318548 : f32
    %sub3A_329 = vector.broadcast %sub3A_328 : f32 to vector<16xf32>
    %sub3A_330 = arith.subf %add3A_324, %sub3A_329 : vector<16xf32>
    %select_n3A_331 = arith.select %ge3A_327, %sub3A_330, %add3A_324 : vector<16xi1>, vector<16xf32>
    %swap3A_332 = arith.constant 272 : index
    %swap3A_333 = tpu.vector_load %arg8[%swap3A_332] {strides = array<i32>} : memref<512xf32, #tpu.memory_space<vmem>>, vector<16xf32>,
    %swap3A_334 = vector.shape_cast %swap3A_333 : vector<16xf32> to vector<16xf32>
    %swap3A_335 = vector.shape_cast %select_n3A_331 : vector<16xf32> to vector<16xf32>
    tpu.vector_store %arg8[%swap3A_332], %swap3A_335 {strides = array<i32>} : memref<512xf32, #tpu.memory_space<vmem>>, vector<16xf32>,
    %get3A_336 = arith.constant 288 : index
    %get3A_337 = tpu.vector_load %arg8[%get3A_336] {strides = array<i32>} : memref<512xf32, #tpu.memory_space<vmem>>, vector<16xf32>,
    %get3A_338 = vector.shape_cast %get3A_337 : vector<16xf32> to vector<16xf32>
    %get3A_339 = arith.constant 288 : index
    %get3A_340 = tpu.vector_load %arg9[%get3A_339] {strides = array<i32>} : memref<512xf32, #tpu.memory_space<vmem>>, vector<16xf32>,
    %get3A_341 = vector.shape_cast %get3A_340 : vector<16xf32> to vector<16xf32>
    %add3A_342 = arith.addf %get3A_338, %get3A_341 : vector<16xf32>
    %ge3A_343 = arith.constant 6.28318548 : f32
    %ge3A_344 = vector.broadcast %ge3A_343 : f32 to vector<16xf32>
    %ge3A_345 = arith.cmpf oge, %add3A_342, %ge3A_344 : vector<16xf32>
    %sub3A_346 = arith.constant 6.28318548 : f32
    %sub3A_347 = vector.broadcast %sub3A_346 : f32 to vector<16xf32>
    %sub3A_348 = arith.subf %add3A_342, %sub3A_347 : vector<16xf32>
    %select_n3A_349 = arith.select %ge3A_345, %sub3A_348, %add3A_342 : vector<16xi1>, vector<16xf32>
    %swap3A_350 = arith.constant 288 : index
    %swap3A_351 = tpu.vector_load %arg8[%swap3A_350] {strides = array<i32>} : memref<512xf32, #tpu.memory_space<vmem>>, vector<16xf32>,
    %swap3A_352 = vector.shape_cast %swap3A_351 : vector<16xf32> to vector<16xf32>
    %swap3A_353 = vector.shape_cast %select_n3A_349 : vector<16xf32> to vector<16xf32>
    tpu.vector_store %arg8[%swap3A_350], %swap3A_353 {strides = array<i32>} : memref<512xf32, #tpu.memory_space<vmem>>, vector<16xf32>,
    %get3A_354 = arith.constant 304 : index
    %get3A_355 = tpu.vector_load %arg8[%get3A_354] {strides = array<i32>} : memref<512xf32, #tpu.memory_space<vmem>>, vector<16xf32>,
    %get3A_356 = vector.shape_cast %get3A_355 : vector<16xf32> to vector<16xf32>
    %get3A_357 = arith.constant 304 : index
    %get3A_358 = tpu.vector_load %arg9[%get3A_357] {strides = array<i32>} : memref<512xf32, #tpu.memory_space<vmem>>, vector<16xf32>,
    %get3A_359 = vector.shape_cast %get3A_358 : vector<16xf32> to vector<16xf32>
    %add3A_360 = arith.addf %get3A_356, %get3A_359 : vector<16xf32>
    %ge3A_361 = arith.constant 6.28318548 : f32
    %ge3A_362 = vector.broadcast %ge3A_361 : f32 to vector<16xf32>
    %ge3A_363 = arith.cmpf oge, %add3A_360, %ge3A_362 : vector<16xf32>
    %sub3A_364 = arith.constant 6.28318548 : f32
    %sub3A_365 = vector.broadcast %sub3A_364 : f32 to vector<16xf32>
    %sub3A_366 = arith.subf %add3A_360, %sub3A_365 : vector<16xf32>
    %select_n3A_367 = arith.select %ge3A_363, %sub3A_366, %add3A_360 : vector<16xi1>, vector<16xf32>
    %swap3A_368 = arith.constant 304 : index
    %swap3A_369 = tpu.vector_load %arg8[%swap3A_368] {strides = array<i32>} : memref<512xf32, #tpu.memory_space<vmem>>, vector<16xf32>,
    %swap3A_370 = vector.shape_cast %swap3A_369 : vector<16xf32> to vector<16xf32>
    %swap3A_371 = vector.shape_cast %select_n3A_367 : vector<16xf32> to vector<16xf32>
    tpu.vector_store %arg8[%swap3A_368], %swap3A_371 {strides = array<i32>} : memref<512xf32, #tpu.memory_space<vmem>>, vector<16xf32>,
    %get3A_372 = arith.constant 320 : index
    %get3A_373 = tpu.vector_load %arg8[%get3A_372] {strides = array<i32>} : memref<512xf32, #tpu.memory_space<vmem>>, vector<16xf32>,
    %get3A_374 = vector.shape_cast %get3A_373 : vector<16xf32> to vector<16xf32>
    %get3A_375 = arith.constant 320 : index
    %get3A_376 = tpu.vector_load %arg9[%get3A_375] {strides = array<i32>} : memref<512xf32, #tpu.memory_space<vmem>>, vector<16xf32>,
    %get3A_377 = vector.shape_cast %get3A_376 : vector<16xf32> to vector<16xf32>
    %add3A_378 = arith.addf %get3A_374, %get3A_377 : vector<16xf32>
    %ge3A_379 = arith.constant 6.28318548 : f32
    %ge3A_380 = vector.broadcast %ge3A_379 : f32 to vector<16xf32>
    %ge3A_381 = arith.cmpf oge, %add3A_378, %ge3A_380 : vector<16xf32>
    %sub3A_382 = arith.constant 6.28318548 : f32
    %sub3A_383 = vector.broadcast %sub3A_382 : f32 to vector<16xf32>
    %sub3A_384 = arith.subf %add3A_378, %sub3A_383 : vector<16xf32>
    %select_n3A_385 = arith.select %ge3A_381, %sub3A_384, %add3A_378 : vector<16xi1>, vector<16xf32>
    %swap3A_386 = arith.constant 320 : index
    %swap3A_387 = tpu.vector_load %arg8[%swap3A_386] {strides = array<i32>} : memref<512xf32, #tpu.memory_space<vmem>>, vector<16xf32>,
    %swap3A_388 = vector.shape_cast %swap3A_387 : vector<16xf32> to vector<16xf32>
    %swap3A_389 = vector.shape_cast %select_n3A_385 : vector<16xf32> to vector<16xf32>
    tpu.vector_store %arg8[%swap3A_386], %swap3A_389 {strides = array<i32>} : memref<512xf32, #tpu.memory_space<vmem>>, vector<16xf32>,
    %get3A_390 = arith.constant 336 : index
    %get3A_391 = tpu.vector_load %arg8[%get3A_390] {strides = array<i32>} : memref<512xf32, #tpu.memory_space<vmem>>, vector<16xf32>,
    %get3A_392 = vector.shape_cast %get3A_391 : vector<16xf32> to vector<16xf32>
    %get3A_393 = arith.constant 336 : index
    %get3A_394 = tpu.vector_load %arg9[%get3A_393] {strides = array<i32>} : memref<512xf32, #tpu.memory_space<vmem>>, vector<16xf32>,
    %get3A_395 = vector.shape_cast %get3A_394 : vector<16xf32> to vector<16xf32>
    %add3A_396 = arith.addf %get3A_392, %get3A_395 : vector<16xf32>
    %ge3A_397 = arith.constant 6.28318548 : f32
    %ge3A_398 = vector.broadcast %ge3A_397 : f32 to vector<16xf32>
    %ge3A_399 = arith.cmpf oge, %add3A_396, %ge3A_398 : vector<16xf32>
    %sub3A_400 = arith.constant 6.28318548 : f32
    %sub3A_401 = vector.broadcast %sub3A_400 : f32 to vector<16xf32>
    %sub3A_402 = arith.subf %add3A_396, %sub3A_401 : vector<16xf32>
    %select_n3A_403 = arith.select %ge3A_399, %sub3A_402, %add3A_396 : vector<16xi1>, vector<16xf32>
    %swap3A_404 = arith.constant 336 : index
    %swap3A_405 = tpu.vector_load %arg8[%swap3A_404] {strides = array<i32>} : memref<512xf32, #tpu.memory_space<vmem>>, vector<16xf32>,
    %swap3A_406 = vector.shape_cast %swap3A_405 : vector<16xf32> to vector<16xf32>
    %swap3A_407 = vector.shape_cast %select_n3A_403 : vector<16xf32> to vector<16xf32>
    tpu.vector_store %arg8[%swap3A_404], %swap3A_407 {strides = array<i32>} : memref<512xf32, #tpu.memory_space<vmem>>, vector<16xf32>,
    %get3A_408 = arith.constant 352 : index
    %get3A_409 = tpu.vector_load %arg8[%get3A_408] {strides = array<i32>} : memref<512xf32, #tpu.memory_space<vmem>>, vector<16xf32>,
    %get3A_410 = vector.shape_cast %get3A_409 : vector<16xf32> to vector<16xf32>
    %get3A_411 = arith.constant 352 : index
    %get3A_412 = tpu.vector_load %arg9[%get3A_411] {strides = array<i32>} : memref<512xf32, #tpu.memory_space<vmem>>, vector<16xf32>,
    %get3A_413 = vector.shape_cast %get3A_412 : vector<16xf32> to vector<16xf32>
    %add3A_414 = arith.addf %get3A_410, %get3A_413 : vector<16xf32>
    %ge3A_415 = arith.constant 6.28318548 : f32
    %ge3A_416 = vector.broadcast %ge3A_415 : f32 to vector<16xf32>
    %ge3A_417 = arith.cmpf oge, %add3A_414, %ge3A_416 : vector<16xf32>
    %sub3A_418 = arith.constant 6.28318548 : f32
    %sub3A_419 = vector.broadcast %sub3A_418 : f32 to vector<16xf32>
    %sub3A_420 = arith.subf %add3A_414, %sub3A_419 : vector<16xf32>
    %select_n3A_421 = arith.select %ge3A_417, %sub3A_420, %add3A_414 : vector<16xi1>, vector<16xf32>
    %swap3A_422 = arith.constant 352 : index
    %swap3A_423 = tpu.vector_load %arg8[%swap3A_422] {strides = array<i32>} : memref<512xf32, #tpu.memory_space<vmem>>, vector<16xf32>,
    %swap3A_424 = vector.shape_cast %swap3A_423 : vector<16xf32> to vector<16xf32>
    %swap3A_425 = vector.shape_cast %select_n3A_421 : vector<16xf32> to vector<16xf32>
    tpu.vector_store %arg8[%swap3A_422], %swap3A_425 {strides = array<i32>} : memref<512xf32, #tpu.memory_space<vmem>>, vector<16xf32>,
    %get3A_426 = arith.constant 368 : index
    %get3A_427 = tpu.vector_load %arg8[%get3A_426] {strides = array<i32>} : memref<512xf32, #tpu.memory_space<vmem>>, vector<16xf32>,
    %get3A_428 = vector.shape_cast %get3A_427 : vector<16xf32> to vector<16xf32>
    %get3A_429 = arith.constant 368 : index
    %get3A_430 = tpu.vector_load %arg9[%get3A_429] {strides = array<i32>} : memref<512xf32, #tpu.memory_space<vmem>>, vector<16xf32>,
    %get3A_431 = vector.shape_cast %get3A_430 : vector<16xf32> to vector<16xf32>
    %add3A_432 = arith.addf %get3A_428, %get3A_431 : vector<16xf32>
    %ge3A_433 = arith.constant 6.28318548 : f32
    %ge3A_434 = vector.broadcast %ge3A_433 : f32 to vector<16xf32>
    %ge3A_435 = arith.cmpf oge, %add3A_432, %ge3A_434 : vector<16xf32>
    %sub3A_436 = arith.constant 6.28318548 : f32
    %sub3A_437 = vector.broadcast %sub3A_436 : f32 to vector<16xf32>
    %sub3A_438 = arith.subf %add3A_432, %sub3A_437 : vector<16xf32>
    %select_n3A_439 = arith.select %ge3A_435, %sub3A_438, %add3A_432 : vector<16xi1>, vector<16xf32>
    %swap3A_440 = arith.constant 368 : index
    %swap3A_441 = tpu.vector_load %arg8[%swap3A_440] {strides = array<i32>} : memref<512xf32, #tpu.memory_space<vmem>>, vector<16xf32>,
    %swap3A_442 = vector.shape_cast %swap3A_441 : vector<16xf32> to vector<16xf32>
    %swap3A_443 = vector.shape_cast %select_n3A_439 : vector<16xf32> to vector<16xf32>
    tpu.vector_store %arg8[%swap3A_440], %swap3A_443 {strides = array<i32>} : memref<512xf32, #tpu.memory_space<vmem>>, vector<16xf32>,
    %get3A_444 = arith.constant 384 : index
    %get3A_445 = tpu.vector_load %arg8[%get3A_444] {strides = array<i32>} : memref<512xf32, #tpu.memory_space<vmem>>, vector<16xf32>,
    %get3A_446 = vector.shape_cast %get3A_445 : vector<16xf32> to vector<16xf32>
    %get3A_447 = arith.constant 384 : index
    %get3A_448 = tpu.vector_load %arg9[%get3A_447] {strides = array<i32>} : memref<512xf32, #tpu.memory_space<vmem>>, vector<16xf32>,
    %get3A_449 = vector.shape_cast %get3A_448 : vector<16xf32> to vector<16xf32>
    %add3A_450 = arith.addf %get3A_446, %get3A_449 : vector<16xf32>
    %ge3A_451 = arith.constant 6.28318548 : f32
    %ge3A_452 = vector.broadcast %ge3A_451 : f32 to vector<16xf32>
    %ge3A_453 = arith.cmpf oge, %add3A_450, %ge3A_452 : vector<16xf32>
    %sub3A_454 = arith.constant 6.28318548 : f32
    %sub3A_455 = vector.broadcast %sub3A_454 : f32 to vector<16xf32>
    %sub3A_456 = arith.subf %add3A_450, %sub3A_455 : vector<16xf32>
    %select_n3A_457 = arith.select %ge3A_453, %sub3A_456, %add3A_450 : vector<16xi1>, vector<16xf32>
    %swap3A_458 = arith.constant 384 : index
    %swap3A_459 = tpu.vector_load %arg8[%swap3A_458] {strides = array<i32>} : memref<512xf32, #tpu.memory_space<vmem>>, vector<16xf32>,
    %swap3A_460 = vector.shape_cast %swap3A_459 : vector<16xf32> to vector<16xf32>
    %swap3A_461 = vector.shape_cast %select_n3A_457 : vector<16xf32> to vector<16xf32>
    tpu.vector_store %arg8[%swap3A_458], %swap3A_461 {strides = array<i32>} : memref<512xf32, #tpu.memory_space<vmem>>, vector<16xf32>,
    %get3A_462 = arith.constant 400 : index
    %get3A_463 = tpu.vector_load %arg8[%get3A_462] {strides = array<i32>} : memref<512xf32, #tpu.memory_space<vmem>>, vector<16xf32>,
    %get3A_464 = vector.shape_cast %get3A_463 : vector<16xf32> to vector<16xf32>
    %get3A_465 = arith.constant 400 : index
    %get3A_466 = tpu.vector_load %arg9[%get3A_465] {strides = array<i32>} : memref<512xf32, #tpu.memory_space<vmem>>, vector<16xf32>,
    %get3A_467 = vector.shape_cast %get3A_466 : vector<16xf32> to vector<16xf32>
    %add3A_468 = arith.addf %get3A_464, %get3A_467 : vector<16xf32>
    %ge3A_469 = arith.constant 6.28318548 : f32
    %ge3A_470 = vector.broadcast %ge3A_469 : f32 to vector<16xf32>
    %ge3A_471 = arith.cmpf oge, %add3A_468, %ge3A_470 : vector<16xf32>
    %sub3A_472 = arith.constant 6.28318548 : f32
    %sub3A_473 = vector.broadcast %sub3A_472 : f32 to vector<16xf32>
    %sub3A_474 = arith.subf %add3A_468, %sub3A_473 : vector<16xf32>
    %select_n3A_475 = arith.select %ge3A_471, %sub3A_474, %add3A_468 : vector<16xi1>, vector<16xf32>
    %swap3A_476 = arith.constant 400 : index
    %swap3A_477 = tpu.vector_load %arg8[%swap3A_476] {strides = array<i32>} : memref<512xf32, #tpu.memory_space<vmem>>, vector<16xf32>,
    %swap3A_478 = vector.shape_cast %swap3A_477 : vector<16xf32> to vector<16xf32>
    %swap3A_479 = vector.shape_cast %select_n3A_475 : vector<16xf32> to vector<16xf32>
    tpu.vector_store %arg8[%swap3A_476], %swap3A_479 {strides = array<i32>} : memref<512xf32, #tpu.memory_space<vmem>>, vector<16xf32>,
    %get3A_480 = arith.constant 416 : index
    %get3A_481 = tpu.vector_load %arg8[%get3A_480] {strides = array<i32>} : memref<512xf32, #tpu.memory_space<vmem>>, vector<16xf32>,
    %get3A_482 = vector.shape_cast %get3A_481 : vector<16xf32> to vector<16xf32>
    %get3A_483 = arith.constant 416 : index
    %get3A_484 = tpu.vector_load %arg9[%get3A_483] {strides = array<i32>} : memref<512xf32, #tpu.memory_space<vmem>>, vector<16xf32>,
    %get3A_485 = vector.shape_cast %get3A_484 : vector<16xf32> to vector<16xf32>
    %add3A_486 = arith.addf %get3A_482, %get3A_485 : vector<16xf32>
    %ge3A_487 = arith.constant 6.28318548 : f32
    %ge3A_488 = vector.broadcast %ge3A_487 : f32 to vector<16xf32>
    %ge3A_489 = arith.cmpf oge, %add3A_486, %ge3A_488 : vector<16xf32>
    %sub3A_490 = arith.constant 6.28318548 : f32
    %sub3A_491 = vector.broadcast %sub3A_490 : f32 to vector<16xf32>
    %sub3A_492 = arith.subf %add3A_486, %sub3A_491 : vector<16xf32>
    %select_n3A_493 = arith.select %ge3A_489, %sub3A_492, %add3A_486 : vector<16xi1>, vector<16xf32>
    %swap3A_494 = arith.constant 416 : index
    %swap3A_495 = tpu.vector_load %arg8[%swap3A_494] {strides = array<i32>} : memref<512xf32, #tpu.memory_space<vmem>>, vector<16xf32>,
    %swap3A_496 = vector.shape_cast %swap3A_495 : vector<16xf32> to vector<16xf32>
    %swap3A_497 = vector.shape_cast %select_n3A_493 : vector<16xf32> to vector<16xf32>
    tpu.vector_store %arg8[%swap3A_494], %swap3A_497 {strides = array<i32>} : memref<512xf32, #tpu.memory_space<vmem>>, vector<16xf32>,
    %get3A_498 = arith.constant 432 : index
    %get3A_499 = tpu.vector_load %arg8[%get3A_498] {strides = array<i32>} : memref<512xf32, #tpu.memory_space<vmem>>, vector<16xf32>,
    %get3A_500 = vector.shape_cast %get3A_499 : vector<16xf32> to vector<16xf32>
    %get3A_501 = arith.constant 432 : index
    %get3A_502 = tpu.vector_load %arg9[%get3A_501] {strides = array<i32>} : memref<512xf32, #tpu.memory_space<vmem>>, vector<16xf32>,
    %get3A_503 = vector.shape_cast %get3A_502 : vector<16xf32> to vector<16xf32>
    %add3A_504 = arith.addf %get3A_500, %get3A_503 : vector<16xf32>
    %ge3A_505 = arith.constant 6.28318548 : f32
    %ge3A_506 = vector.broadcast %ge3A_505 : f32 to vector<16xf32>
    %ge3A_507 = arith.cmpf oge, %add3A_504, %ge3A_506 : vector<16xf32>
    %sub3A_508 = arith.constant 6.28318548 : f32
    %sub3A_509 = vector.broadcast %sub3A_508 : f32 to vector<16xf32>
    %sub3A_510 = arith.subf %add3A_504, %sub3A_509 : vector<16xf32>
    %select_n3A_511 = arith.select %ge3A_507, %sub3A_510, %add3A_504 : vector<16xi1>, vector<16xf32>
    %swap3A_512 = arith.constant 432 : index
    %swap3A_513 = tpu.vector_load %arg8[%swap3A_512] {strides = array<i32>} : memref<512xf32, #tpu.memory_space<vmem>>, vector<16xf32>,
    %swap3A_514 = vector.shape_cast %swap3A_513 : vector<16xf32> to vector<16xf32>
    %swap3A_515 = vector.shape_cast %select_n3A_511 : vector<16xf32> to vector<16xf32>
    tpu.vector_store %arg8[%swap3A_512], %swap3A_515 {strides = array<i32>} : memref<512xf32, #tpu.memory_space<vmem>>, vector<16xf32>,
    %get3A_516 = arith.constant 448 : index
    %get3A_517 = tpu.vector_load %arg8[%get3A_516] {strides = array<i32>} : memref<512xf32, #tpu.memory_space<vmem>>, vector<16xf32>,
    %get3A_518 = vector.shape_cast %get3A_517 : vector<16xf32> to vector<16xf32>
    %get3A_519 = arith.constant 448 : index
    %get3A_520 = tpu.vector_load %arg9[%get3A_519] {strides = array<i32>} : memref<512xf32, #tpu.memory_space<vmem>>, vector<16xf32>,
    %get3A_521 = vector.shape_cast %get3A_520 : vector<16xf32> to vector<16xf32>
    %add3A_522 = arith.addf %get3A_518, %get3A_521 : vector<16xf32>
    %ge3A_523 = arith.constant 6.28318548 : f32
    %ge3A_524 = vector.broadcast %ge3A_523 : f32 to vector<16xf32>
    %ge3A_525 = arith.cmpf oge, %add3A_522, %ge3A_524 : vector<16xf32>
    %sub3A_526 = arith.constant 6.28318548 : f32
    %sub3A_527 = vector.broadcast %sub3A_526 : f32 to vector<16xf32>
    %sub3A_528 = arith.subf %add3A_522, %sub3A_527 : vector<16xf32>
    %select_n3A_529 = arith.select %ge3A_525, %sub3A_528, %add3A_522 : vector<16xi1>, vector<16xf32>
    %swap3A_530 = arith.constant 448 : index
    %swap3A_531 = tpu.vector_load %arg8[%swap3A_530] {strides = array<i32>} : memref<512xf32, #tpu.memory_space<vmem>>, vector<16xf32>,
    %swap3A_532 = vector.shape_cast %swap3A_531 : vector<16xf32> to vector<16xf32>
    %swap3A_533 = vector.shape_cast %select_n3A_529 : vector<16xf32> to vector<16xf32>
    tpu.vector_store %arg8[%swap3A_530], %swap3A_533 {strides = array<i32>} : memref<512xf32, #tpu.memory_space<vmem>>, vector<16xf32>,
    %get3A_534 = arith.constant 464 : index
    %get3A_535 = tpu.vector_load %arg8[%get3A_534] {strides = array<i32>} : memref<512xf32, #tpu.memory_space<vmem>>, vector<16xf32>,
    %get3A_536 = vector.shape_cast %get3A_535 : vector<16xf32> to vector<16xf32>
    %get3A_537 = arith.constant 464 : index
    %get3A_538 = tpu.vector_load %arg9[%get3A_537] {strides = array<i32>} : memref<512xf32, #tpu.memory_space<vmem>>, vector<16xf32>,
    %get3A_539 = vector.shape_cast %get3A_538 : vector<16xf32> to vector<16xf32>
    %add3A_540 = arith.addf %get3A_536, %get3A_539 : vector<16xf32>
    %ge3A_541 = arith.constant 6.28318548 : f32
    %ge3A_542 = vector.broadcast %ge3A_541 : f32 to vector<16xf32>
    %ge3A_543 = arith.cmpf oge, %add3A_540, %ge3A_542 : vector<16xf32>
    %sub3A_544 = arith.constant 6.28318548 : f32
    %sub3A_545 = vector.broadcast %sub3A_544 : f32 to vector<16xf32>
    %sub3A_546 = arith.subf %add3A_540, %sub3A_545 : vector<16xf32>
    %select_n3A_547 = arith.select %ge3A_543, %sub3A_546, %add3A_540 : vector<16xi1>, vector<16xf32>
    %swap3A_548 = arith.constant 464 : index
    %swap3A_549 = tpu.vector_load %arg8[%swap3A_548] {strides = array<i32>} : memref<512xf32, #tpu.memory_space<vmem>>, vector<16xf32>,
    %swap3A_550 = vector.shape_cast %swap3A_549 : vector<16xf32> to vector<16xf32>
    %swap3A_551 = vector.shape_cast %select_n3A_547 : vector<16xf32> to vector<16xf32>
    tpu.vector_store %arg8[%swap3A_548], %swap3A_551 {strides = array<i32>} : memref<512xf32, #tpu.memory_space<vmem>>, vector<16xf32>,
    %get3A_552 = arith.constant 480 : index
    %get3A_553 = tpu.vector_load %arg8[%get3A_552] {strides = array<i32>} : memref<512xf32, #tpu.memory_space<vmem>>, vector<16xf32>,
    %get3A_554 = vector.shape_cast %get3A_553 : vector<16xf32> to vector<16xf32>
    %get3A_555 = arith.constant 480 : index
    %get3A_556 = tpu.vector_load %arg9[%get3A_555] {strides = array<i32>} : memref<512xf32, #tpu.memory_space<vmem>>, vector<16xf32>,
    %get3A_557 = vector.shape_cast %get3A_556 : vector<16xf32> to vector<16xf32>
    %add3A_558 = arith.addf %get3A_554, %get3A_557 : vector<16xf32>
    %ge3A_559 = arith.constant 6.28318548 : f32
    %ge3A_560 = vector.broadcast %ge3A_559 : f32 to vector<16xf32>
    %ge3A_561 = arith.cmpf oge, %add3A_558, %ge3A_560 : vector<16xf32>
    %sub3A_562 = arith.constant 6.28318548 : f32
    %sub3A_563 = vector.broadcast %sub3A_562 : f32 to vector<16xf32>
    %sub3A_564 = arith.subf %add3A_558, %sub3A_563 : vector<16xf32>
    %select_n3A_565 = arith.select %ge3A_561, %sub3A_564, %add3A_558 : vector<16xi1>, vector<16xf32>
    %swap3A_566 = arith.constant 480 : index
    %swap3A_567 = tpu.vector_load %arg8[%swap3A_566] {strides = array<i32>} : memref<512xf32, #tpu.memory_space<vmem>>, vector<16xf32>,
    %swap3A_568 = vector.shape_cast %swap3A_567 : vector<16xf32> to vector<16xf32>
    %swap3A_569 = vector.shape_cast %select_n3A_565 : vector<16xf32> to vector<16xf32>
    tpu.vector_store %arg8[%swap3A_566], %swap3A_569 {strides = array<i32>} : memref<512xf32, #tpu.memory_space<vmem>>, vector<16xf32>,
    %get3A_570 = arith.constant 496 : index
    %get3A_571 = tpu.vector_load %arg8[%get3A_570] {strides = array<i32>} : memref<512xf32, #tpu.memory_space<vmem>>, vector<16xf32>,
    %get3A_572 = vector.shape_cast %get3A_571 : vector<16xf32> to vector<16xf32>
    %get3A_573 = arith.constant 496 : index
    %get3A_574 = tpu.vector_load %arg9[%get3A_573] {strides = array<i32>} : memref<512xf32, #tpu.memory_space<vmem>>, vector<16xf32>,
    %get3A_575 = vector.shape_cast %get3A_574 : vector<16xf32> to vector<16xf32>
    %add3A_576 = arith.addf %get3A_572, %get3A_575 : vector<16xf32>
    %ge3A_577 = arith.constant 6.28318548 : f32
    %ge3A_578 = vector.broadcast %ge3A_577 : f32 to vector<16xf32>
    %ge3A_579 = arith.cmpf oge, %add3A_576, %ge3A_578 : vector<16xf32>
    %sub3A_580 = arith.constant 6.28318548 : f32
    %sub3A_581 = vector.broadcast %sub3A_580 : f32 to vector<16xf32>
    %sub3A_582 = arith.subf %add3A_576, %sub3A_581 : vector<16xf32>
    %select_n3A_583 = arith.select %ge3A_579, %sub3A_582, %add3A_576 : vector<16xi1>, vector<16xf32>
    %swap3A_584 = arith.constant 496 : index
    %swap3A_585 = tpu.vector_load %arg8[%swap3A_584] {strides = array<i32>} : memref<512xf32, #tpu.memory_space<vmem>>, vector<16xf32>,
    %swap3A_586 = vector.shape_cast %swap3A_585 : vector<16xf32> to vector<16xf32>
    %swap3A_587 = vector.shape_cast %select_n3A_583 : vector<16xf32> to vector<16xf32>
    tpu.vector_store %arg8[%swap3A_584], %swap3A_587 {strides = array<i32>} : memref<512xf32, #tpu.memory_space<vmem>>, vector<16xf32>,
    "tpu.region"() ({
      %run_scoped3A = tpu.sem_alloc : memref<!tpu.dma_semaphore, #tpu.memory_space<semaphore_mem>>
      %dma_start3A_588 = tpu.memref_slice %arg5[%mul3A_2] : memref<16384xf32, #tpu.memory_space<hbm>> -> memref<512xf32, #tpu.memory_space<hbm>>
      %dma_start3A_589 = tpu.memref_slice %arg5[%mul3A_2] : memref<16384xf32, #tpu.memory_space<hbm>> -> memref<512xf32, #tpu.memory_space<hbm>>
      tpu.enqueue_dma source(%arg8 : memref<512xf32, #tpu.memory_space<vmem>>) target(%dma_start3A_589 : memref<512xf32, #tpu.memory_space<hbm>>) target_semaphore(%run_scoped3A : memref<!tpu.dma_semaphore, #tpu.memory_space<semaphore_mem>>)
      %dma_wait3A_590 = tpu.memref_slice %arg5[%mul3A_2] : memref<16384xf32, #tpu.memory_space<hbm>> -> memref<512xf32, #tpu.memory_space<hbm>>
      %dma_wait3A_591 = tpu.memref_slice %arg5[%mul3A_2] : memref<16384xf32, #tpu.memory_space<hbm>> -> memref<512xf32, #tpu.memory_space<hbm>>
      tpu.wait_dma2 semaphore(%run_scoped3A : memref<!tpu.dma_semaphore, #tpu.memory_space<semaphore_mem>>) src(%arg8 : memref<512xf32, #tpu.memory_space<vmem>>) dst(%dma_wait3A_591 : memref<512xf32, #tpu.memory_space<hbm>>)
      tpu.yield
    }) : () -> ()
    return
  }
}

module attributes {stable_mosaic.version = 14 : i64} {
  func.func @body(%arg0: i32, %arg1: memref<2048x1xf32, #tpu.memory_space<vmem>>, %arg2: memref<1x1000xf32, #tpu.memory_space<vmem>>, %arg3: memref<16384x1000xf32, #tpu.memory_space<any>>, %arg4: memref<4x2048x1000xf32, #tpu.memory_space<vmem>>, %arg5: memref<4x!tpu.dma_semaphore, #tpu.memory_space<semaphore_mem>>) attributes {dimension_semantics = [#tpu.dimension_semantics<arbitrary>], iteration_bounds = array<i64: 8>, scalar_prefetch = 0 : i64, scratch_operands = 2 : i64, tpu.core_type = #tpu.core_type<tc>, window_params = [{transform_indices = @transform_0, window_bounds = array<i64: 2048, 1>}, {pipeline_mode = #tpu.pipeline_mode<synchronous>, transform_indices = @transform_1, window_bounds = array<i64: 1, 1000>}, {}]} {
    %rem3A = arith.constant 4 : i32
    %rem3A_0 = arith.remsi %arg0, %rem3A : i32
    %ge3A = arith.constant 4 : i32
    %ge3A_1 = arith.cmpi sge, %arg0, %ge3A : i32
    %convert_element_type3A = arith.extui %ge3A_1 : i1 to i32
    %cond3A = arith.constant 0 : i32
    %cond3A_2 = arith.cmpi ne, %convert_element_type3A, %cond3A : i32
    scf.if %cond3A_2 {
      %dma_wait3A = tpu.memref_slice %arg5[%rem3A_0] : memref<4x!tpu.dma_semaphore, #tpu.memory_space<semaphore_mem>> -> memref<1x!tpu.dma_semaphore, #tpu.memory_space<semaphore_mem>>
      %dma_wait3A_32 = tpu.memref_squeeze %dma_wait3A : memref<1x!tpu.dma_semaphore, #tpu.memory_space<semaphore_mem>> -> memref<!tpu.dma_semaphore, #tpu.memory_space<semaphore_mem>>
      %dma_wait3A_33 = arith.constant 0 : i32
      %dma_wait3A_34 = arith.constant 0 : i32
      %dma_wait3A_35 = tpu.memref_slice %arg3[%dma_wait3A_33, %dma_wait3A_34] : memref<16384x1000xf32, #tpu.memory_space<any>> -> memref<2048x1000xf32, #tpu.memory_space<any>>
      %dma_wait3A_36 = arith.constant 0 : i32
      %dma_wait3A_37 = arith.constant 0 : i32
      %dma_wait3A_38 = tpu.memref_slice %arg4[%rem3A_0, %dma_wait3A_36, %dma_wait3A_37] : memref<4x2048x1000xf32, #tpu.memory_space<vmem>> -> memref<1x2048x1000xf32, #tpu.memory_space<vmem>>
      %dma_wait3A_39 = tpu.memref_squeeze %dma_wait3A_38 : memref<1x2048x1000xf32, #tpu.memory_space<vmem>> -> memref<2048x1000xf32, #tpu.memory_space<vmem>>
      tpu.wait_dma2 semaphore(%dma_wait3A_32 : memref<!tpu.dma_semaphore, #tpu.memory_space<semaphore_mem>>) src(%dma_wait3A_39 : memref<2048x1000xf32, #tpu.memory_space<vmem>>) dst(%dma_wait3A_35 : memref<2048x1000xf32, #tpu.memory_space<any>>)
    } else {
    }
    %get3A = arith.constant 0 : index
    %get3A_3 = arith.constant 0 : index
    %get3A_4 = vector.load %arg1[%get3A, %get3A_3] : memref<2048x1xf32, #tpu.memory_space<vmem>>, vector<2048x1xf32>
    %get3A_5 = arith.constant 0 : index
    %get3A_6 = arith.constant 0 : index
    %get3A_7 = vector.load %arg2[%get3A_5, %get3A_6] : memref<1x1000xf32, #tpu.memory_space<vmem>>, vector<1x1000xf32>
    %sub3A = vector.broadcast %get3A_4 : vector<2048x1xf32> to vector<2048x1000xf32>
    %sub3A_8 = vector.broadcast %get3A_7 : vector<1x1000xf32> to vector<2048x1000xf32>
    %sub3A_9 = arith.subf %sub3A, %sub3A_8 : vector<2048x1000xf32>
    %abs3A = math.absf %sub3A_9 : vector<2048x1000xf32>
    %sub3A_10 = arith.constant 6.28318548 : f32
    %sub3A_11 = vector.broadcast %sub3A_10 : f32 to vector<2048x1000xf32>
    %sub3A_12 = arith.subf %sub3A_11, %abs3A : vector<2048x1000xf32>
    %min3A = arith.minimumf %abs3A, %sub3A_12 : vector<2048x1000xf32>
    %neg3A = arith.constant 0.000000e+00 : f32
    %neg3A_13 = vector.broadcast %neg3A : f32 to vector<2048x1000xf32>
    %neg3A_14 = arith.subf %neg3A_13, %min3A : vector<2048x1000xf32>
    %swap3A = arith.index_cast %rem3A_0 : i32 to index
    %swap3A_15 = arith.constant 0 : index
    %swap3A_16 = arith.constant 0 : index
    %swap3A_17 = vector.load %arg4[%swap3A, %swap3A_15, %swap3A_16] : memref<4x2048x1000xf32, #tpu.memory_space<vmem>>, vector<1x2048x1000xf32>
    %swap3A_18 = vector.shape_cast %swap3A_17 : vector<1x2048x1000xf32> to vector<2048x1000xf32>
    %swap3A_19 = vector.shape_cast %neg3A_14 : vector<2048x1000xf32> to vector<1x2048x1000xf32>
    tpu.vector_store %arg4[%swap3A, %swap3A_15, %swap3A_16], %swap3A_19 {strides = array<i32>} : memref<4x2048x1000xf32, #tpu.memory_space<vmem>>, vector<1x2048x1000xf32>,
    %mul3A = arith.constant 2048 : i32
    %mul3A_20 = arith.muli %arg0, %mul3A : i32
    %dma_start3A = tpu.memref_slice %arg5[%rem3A_0] : memref<4x!tpu.dma_semaphore, #tpu.memory_space<semaphore_mem>> -> memref<1x!tpu.dma_semaphore, #tpu.memory_space<semaphore_mem>>
    %dma_start3A_21 = tpu.memref_squeeze %dma_start3A : memref<1x!tpu.dma_semaphore, #tpu.memory_space<semaphore_mem>> -> memref<!tpu.dma_semaphore, #tpu.memory_space<semaphore_mem>>
    %dma_start3A_22 = arith.constant 0 : i32
    %dma_start3A_23 = tpu.memref_slice %arg3[%mul3A_20, %dma_start3A_22] : memref<16384x1000xf32, #tpu.memory_space<any>> -> memref<2048x1000xf32, #tpu.memory_space<any>>
    %dma_start3A_24 = arith.constant 0 : i32
    %dma_start3A_25 = arith.constant 0 : i32
    %dma_start3A_26 = tpu.memref_slice %arg4[%rem3A_0, %dma_start3A_24, %dma_start3A_25] : memref<4x2048x1000xf32, #tpu.memory_space<vmem>> -> memref<1x2048x1000xf32, #tpu.memory_space<vmem>>
    %dma_start3A_27 = tpu.memref_squeeze %dma_start3A_26 : memref<1x2048x1000xf32, #tpu.memory_space<vmem>> -> memref<2048x1000xf32, #tpu.memory_space<vmem>>
    tpu.enqueue_dma source(%dma_start3A_27 : memref<2048x1000xf32, #tpu.memory_space<vmem>>) target(%dma_start3A_23 : memref<2048x1000xf32, #tpu.memory_space<any>>) target_semaphore(%dma_start3A_21 : memref<!tpu.dma_semaphore, #tpu.memory_space<semaphore_mem>>)
    %eq3A = arith.constant 7 : i32
    %eq3A_28 = arith.cmpi eq, %arg0, %eq3A : i32
    %convert_element_type3A_29 = arith.extui %eq3A_28 : i1 to i32
    %cond3A_30 = arith.constant 0 : i32
    %cond3A_31 = arith.cmpi ne, %convert_element_type3A_29, %cond3A_30 : i32
    scf.if %cond3A_31 {
      %dma_wait3A = arith.constant 0 : i32
      %dma_wait3A_32 = arith.constant 0 : i32
      %dma_wait3A_33 = tpu.memref_slice %arg5[%dma_wait3A_32] : memref<4x!tpu.dma_semaphore, #tpu.memory_space<semaphore_mem>> -> memref<1x!tpu.dma_semaphore, #tpu.memory_space<semaphore_mem>>
      %dma_wait3A_34 = tpu.memref_squeeze %dma_wait3A_33 : memref<1x!tpu.dma_semaphore, #tpu.memory_space<semaphore_mem>> -> memref<!tpu.dma_semaphore, #tpu.memory_space<semaphore_mem>>
      %dma_wait3A_35 = arith.constant 0 : i32
      %dma_wait3A_36 = arith.constant 0 : i32
      %dma_wait3A_37 = tpu.memref_slice %arg3[%dma_wait3A_35, %dma_wait3A_36] : memref<16384x1000xf32, #tpu.memory_space<any>> -> memref<2048x1000xf32, #tpu.memory_space<any>>
      %dma_wait3A_38 = arith.constant 0 : i32
      %dma_wait3A_39 = arith.constant 0 : i32
      %dma_wait3A_40 = tpu.memref_slice %arg4[%dma_wait3A, %dma_wait3A_38, %dma_wait3A_39] : memref<4x2048x1000xf32, #tpu.memory_space<vmem>> -> memref<1x2048x1000xf32, #tpu.memory_space<vmem>>
      %dma_wait3A_41 = tpu.memref_squeeze %dma_wait3A_40 : memref<1x2048x1000xf32, #tpu.memory_space<vmem>> -> memref<2048x1000xf32, #tpu.memory_space<vmem>>
      tpu.wait_dma2 semaphore(%dma_wait3A_34 : memref<!tpu.dma_semaphore, #tpu.memory_space<semaphore_mem>>) src(%dma_wait3A_41 : memref<2048x1000xf32, #tpu.memory_space<vmem>>) dst(%dma_wait3A_37 : memref<2048x1000xf32, #tpu.memory_space<any>>)
      %dma_wait3A_42 = arith.constant 1 : i32
      %dma_wait3A_43 = arith.constant 1 : i32
      %dma_wait3A_44 = tpu.memref_slice %arg5[%dma_wait3A_43] : memref<4x!tpu.dma_semaphore, #tpu.memory_space<semaphore_mem>> -> memref<1x!tpu.dma_semaphore, #tpu.memory_space<semaphore_mem>>
      %dma_wait3A_45 = tpu.memref_squeeze %dma_wait3A_44 : memref<1x!tpu.dma_semaphore, #tpu.memory_space<semaphore_mem>> -> memref<!tpu.dma_semaphore, #tpu.memory_space<semaphore_mem>>
      %dma_wait3A_46 = arith.constant 0 : i32
      %dma_wait3A_47 = arith.constant 0 : i32
      %dma_wait3A_48 = tpu.memref_slice %arg3[%dma_wait3A_46, %dma_wait3A_47] : memref<16384x1000xf32, #tpu.memory_space<any>> -> memref<2048x1000xf32, #tpu.memory_space<any>>
      %dma_wait3A_49 = arith.constant 0 : i32
      %dma_wait3A_50 = arith.constant 0 : i32
      %dma_wait3A_51 = tpu.memref_slice %arg4[%dma_wait3A_42, %dma_wait3A_49, %dma_wait3A_50] : memref<4x2048x1000xf32, #tpu.memory_space<vmem>> -> memref<1x2048x1000xf32, #tpu.memory_space<vmem>>
      %dma_wait3A_52 = tpu.memref_squeeze %dma_wait3A_51 : memref<1x2048x1000xf32, #tpu.memory_space<vmem>> -> memref<2048x1000xf32, #tpu.memory_space<vmem>>
      tpu.wait_dma2 semaphore(%dma_wait3A_45 : memref<!tpu.dma_semaphore, #tpu.memory_space<semaphore_mem>>) src(%dma_wait3A_52 : memref<2048x1000xf32, #tpu.memory_space<vmem>>) dst(%dma_wait3A_48 : memref<2048x1000xf32, #tpu.memory_space<any>>)
      %dma_wait3A_53 = arith.constant 2 : i32
      %dma_wait3A_54 = arith.constant 2 : i32
      %dma_wait3A_55 = tpu.memref_slice %arg5[%dma_wait3A_54] : memref<4x!tpu.dma_semaphore, #tpu.memory_space<semaphore_mem>> -> memref<1x!tpu.dma_semaphore, #tpu.memory_space<semaphore_mem>>
      %dma_wait3A_56 = tpu.memref_squeeze %dma_wait3A_55 : memref<1x!tpu.dma_semaphore, #tpu.memory_space<semaphore_mem>> -> memref<!tpu.dma_semaphore, #tpu.memory_space<semaphore_mem>>
      %dma_wait3A_57 = arith.constant 0 : i32
      %dma_wait3A_58 = arith.constant 0 : i32
      %dma_wait3A_59 = tpu.memref_slice %arg3[%dma_wait3A_57, %dma_wait3A_58] : memref<16384x1000xf32, #tpu.memory_space<any>> -> memref<2048x1000xf32, #tpu.memory_space<any>>
      %dma_wait3A_60 = arith.constant 0 : i32
      %dma_wait3A_61 = arith.constant 0 : i32
      %dma_wait3A_62 = tpu.memref_slice %arg4[%dma_wait3A_53, %dma_wait3A_60, %dma_wait3A_61] : memref<4x2048x1000xf32, #tpu.memory_space<vmem>> -> memref<1x2048x1000xf32, #tpu.memory_space<vmem>>
      %dma_wait3A_63 = tpu.memref_squeeze %dma_wait3A_62 : memref<1x2048x1000xf32, #tpu.memory_space<vmem>> -> memref<2048x1000xf32, #tpu.memory_space<vmem>>
      tpu.wait_dma2 semaphore(%dma_wait3A_56 : memref<!tpu.dma_semaphore, #tpu.memory_space<semaphore_mem>>) src(%dma_wait3A_63 : memref<2048x1000xf32, #tpu.memory_space<vmem>>) dst(%dma_wait3A_59 : memref<2048x1000xf32, #tpu.memory_space<any>>)
      %dma_wait3A_64 = arith.constant 3 : i32
      %dma_wait3A_65 = arith.constant 3 : i32
      %dma_wait3A_66 = tpu.memref_slice %arg5[%dma_wait3A_65] : memref<4x!tpu.dma_semaphore, #tpu.memory_space<semaphore_mem>> -> memref<1x!tpu.dma_semaphore, #tpu.memory_space<semaphore_mem>>
      %dma_wait3A_67 = tpu.memref_squeeze %dma_wait3A_66 : memref<1x!tpu.dma_semaphore, #tpu.memory_space<semaphore_mem>> -> memref<!tpu.dma_semaphore, #tpu.memory_space<semaphore_mem>>
      %dma_wait3A_68 = arith.constant 0 : i32
      %dma_wait3A_69 = arith.constant 0 : i32
      %dma_wait3A_70 = tpu.memref_slice %arg3[%dma_wait3A_68, %dma_wait3A_69] : memref<16384x1000xf32, #tpu.memory_space<any>> -> memref<2048x1000xf32, #tpu.memory_space<any>>
      %dma_wait3A_71 = arith.constant 0 : i32
      %dma_wait3A_72 = arith.constant 0 : i32
      %dma_wait3A_73 = tpu.memref_slice %arg4[%dma_wait3A_64, %dma_wait3A_71, %dma_wait3A_72] : memref<4x2048x1000xf32, #tpu.memory_space<vmem>> -> memref<1x2048x1000xf32, #tpu.memory_space<vmem>>
      %dma_wait3A_74 = tpu.memref_squeeze %dma_wait3A_73 : memref<1x2048x1000xf32, #tpu.memory_space<vmem>> -> memref<2048x1000xf32, #tpu.memory_space<vmem>>
      tpu.wait_dma2 semaphore(%dma_wait3A_67 : memref<!tpu.dma_semaphore, #tpu.memory_space<semaphore_mem>>) src(%dma_wait3A_74 : memref<2048x1000xf32, #tpu.memory_space<vmem>>) dst(%dma_wait3A_70 : memref<2048x1000xf32, #tpu.memory_space<any>>)
    } else {
    }
    return
  }
  func.func @transform_0(%arg0: i32) -> (i32, i32) {
    %c0_i32 = arith.constant 0 : i32
    %c0_i32_0 = arith.constant 0 : i32
    return %arg0, %c0_i32 : i32, i32
  }
  func.func @transform_1(%arg0: i32) -> (i32, i32) {
    %c0_i32 = arith.constant 0 : i32
    %c0_i32_0 = arith.constant 0 : i32
    %c0_i32_1 = arith.constant 0 : i32
    return %c0_i32, %c0_i32_0 : i32, i32
  }
}

</mosaic_0001>

<sc_bundles>
// kernel: kernel.4.cloned.1.call-start
scs
__scs_entry_jumppad:
0x0: {  	(pc) =	sbr.rel $0x88, $3  }
0x1: {  	(tag) =	ssettag $0x0;
	lr =	simm.s32 $0x1  }
0x2: {  	[smem:$0x3F9D] =	sst lr;
	_ =	strace $0xD0000000  }
0x3: {  	_ = 	snop  }
0x4: {  	_ = 	snop  }
0x5: {  	_ = 	snop  }
0x6: {  	_ = 	snop  }
0x7: {  	_ = 	snop  }
__scs_overlays_trampoline_lowered:
0x8: {  	[smem:$0x3FAC] =	sst s0  }
0x9: {  	[smem:$0x3FAD] =	sst s1  }
0xa: {  	[smem:$0x3FAE] =	sst s2  }
0xb: {  	[smem:$0x3FAF] =	sst s3  }
0xc: {  	[smem:$0x3FB0] =	sst s4  }
0xd: {  	[smem:$0x3FB1] =	sst s5  }
0xe: {  	[smem:$0x3FB2] =	sst s6  }
0xf: {  	[smem:$0x3FB3] =	sst s7  }
0x10: {  	[smem:$0x3FB4] =	sst s8  }
0x11: {  	[smem:$0x3FB5] =	sst s9;
	s0 =	simm.s32 @!p0 $0x0  }
0x12: {  	s1 =	sld [smem:$0x3F9B];
	s0 =	simm.s32 @p0 $0x1  }
0x13: {  	[smem:$0x3FB6] =	sst s0;
	s0 =	simm.s32 @!p1 $0x0  }
0x14: {  	s2 =	sld [smem:$0x3F9A];
	s0 =	simm.s32 @p1 $0x1  }
0x15: {  	[smem:$0x3FB7] =	sst s0;
	s0 =	simm.s32 @!p2 $0x0  }
0x16: {  	s3 =	sld [smem:$0x3FDB];
	s0 =	simm.s32 @p2 $0x1  }
0x17: {  	s4 =	simm.s32 $0x1BF5;
	[smem:$0x3FB9] =	sst s0  }
0x18: {  	s0 =	sld [smem:$0x3F9C];
	_ =	swait.ge [sflag:s4], $0x0  }
0x19: {  	s7 =	sld [smem:$0x3F9D]  }
0x1a: {  	s8 =	sadd.s32 $0xFFFFE003, lr  }
0x1b: {  	s9 =	sadd.s32 $0xFFFFFEF7, lr;
	s5 =	simm.s32 $0xFFFFFFFF;
	p2 =	slt.u32 s8, $0xFFFFF086  }
0x1c: {  	p1 =	slt.u32 s9, $0xF7A;
	s5 =	simm.s32 @!p2 $0x0  }
0x1d: {  	s5 =	simm.s32 @p1 $0x1;
	p0 =	seq.s32 s7, s2  }
0x1e: {  	s7 =	smul.u32 @!p0 $0xF7A, s2;
	p2 =	seq.s32 @!p0 s5, $0x0  }
0x1f: {  	s9 =	smul.u32 $0xF7A, s1;
	s8 =	simm.s32 @!p0 $0x1BF5;
	p2 =	por !p2, p0  }
0x20: {  	[sflag:s8] =	ssyncset.s32 @!p0 $0xFFFFF086;
	s6 =	sadd.s32 @!p0 s3, s7;
	s7 =	simm.s32 @!p0 $0x108  }
0x21: {  	s3 =	sadd.s32 s3, s9;
	s6 =	sadd.s32 @!p0 $0x88, s6;
	s7 =	simm.s32 @p2 $0x1082  }
0x22: {  	[simem:s7], [sflag:s8] =	dma.local @!p0 [hbm:s6], $0xF7A  }
0x23: {  	s9 =	sor.u32 $0xD0000000, s2;
	s6 =	simm.s32 $0x108;
	_ =	swait.ge @!p0 [sflag:s8], $0x0  }
0x24: {  	s3 =	sadd.s32 $0x88, s3;
	s6 =	simm.s32 @!p1 $0x1082;
	[sflag:s4] =	ssyncset.s32 $0xFFFFF086  }
0x25: {  	[simem:s6], [sflag:s4] =	dma.local [hbm:s3], $0xF7A  }
0x26: {  	[smem:$0x3F9D] =	sst s1;
	(tag) =	ssettag s2;
	_ =	strace s9  }
0x27: {  	s1 =	sld [smem:$0x3FAD]  }
0x28: {  	s2 =	sld [smem:$0x3FAE]  }
0x29: {  	s4 =	sld [smem:$0x3FB0]  }
0x2a: {  	p0 =	seq.s32 s5, $0x0;
	s5 =	sld [smem:$0x3FB1]  }
0x2b: {  	s6 =	sld [smem:$0x3FB2]  }
0x2c: {  	s7 =	sld [smem:$0x3FB3]  }
0x2d: {  	s3 =	simm.s32 $0x108;
	s8 =	sld [smem:$0x3FB4]  }
0x2e: {  	s3 =	simm.s32 @!p0 $0x1082;
	s9 =	sld [smem:$0x3FB5]  }
0x2f: {  	lr =	sadd.s32 s0, s3;
	s0 =	sld [smem:$0x3FAC]  }
0x30: {  	s3 =	sld [smem:$0x3FAF]  }
0x31: {  	[smem:$0x3FB8] =	sst s10  }
0x32: {  	s10 =	sld [smem:$0x3FB6];
	_ =	sdelay $0x3  }
0x33: {  	p0 =	seq.s32 s10, $0x1;
	s10 =	sld [smem:$0x3FB8];
	_ =	sdelay $0x3  }
0x34: {  	[smem:$0x3FB8] =	sst s10  }
0x35: {  	s10 =	sld [smem:$0x3FB7];
	_ =	sdelay $0x3  }
0x36: {  	p1 =	seq.s32 s10, $0x1;
	s10 =	sld [smem:$0x3FB8];
	_ =	sdelay $0x3  }
0x37: {  	[smem:$0x3FB8] =	sst s10  }
0x38: {  	s10 =	sld [smem:$0x3FB9]  }
0x39: {  	_ = 	snop;
	(pc) =	sbr.ind lr, $3  }
0x3a: {  	_ = 	snop  }
0x3b: {  	_ = 	snop  }
0x3c: {  	p2 =	seq.s32 s10, $0x1;
	s10 =	sld [smem:$0x3FB8]  }
0x3d: {  	_ =	shalt  }
0x3e: {  	_ =	shalt  }
0x3f: {  	_ =	shalt  }
0x40: {  	_ =	shalt  }
0x41: {  	_ =	shalt  }
0x42: {  	_ =	shalt  }
0x43: {  	_ =	shalt  }
0x44: {  	_ =	shalt  }
0x45: {  	_ =	shalt  }
0x46: {  	_ =	shalt  }
0x47: {  	_ =	shalt  }
0x48: {  	_ =	shalt  }
0x49: {  	_ =	shalt  }
0x4a: {  	_ =	shalt  }
0x4b: {  	_ =	shalt  }
0x4c: {  	_ =	shalt  }
0x4d: {  	_ =	shalt  }
0x4e: {  	_ =	shalt  }
0x4f: {  	_ =	shalt  }
0x50: {  	_ =	shalt  }
0x51: {  	_ =	shalt  }
0x52: {  	_ =	shalt  }
0x53: {  	_ =	shalt  }
0x54: {  	_ =	shalt  }
0x55: {  	_ =	shalt  }
0x56: {  	_ =	shalt  }
0x57: {  	_ =	shalt  }
0x58: {  	_ =	shalt  }
0x59: {  	_ =	shalt  }
0x5a: {  	_ =	shalt  }
0x5b: {  	_ =	shalt  }
0x5c: {  	_ =	shalt  }
0x5d: {  	_ =	shalt  }
0x5e: {  	_ =	shalt  }
0x5f: {  	_ =	shalt  }
0x60: {  	_ =	shalt  }
0x61: {  	_ =	shalt  }
0x62: {  	_ =	shalt  }
0x63: {  	_ =	shalt  }
0x64: {  	_ =	shalt  }
0x65: {  	_ =	shalt  }
0x66: {  	_ =	shalt  }
0x67: {  	_ =	shalt  }
0x68: {  	_ =	shalt  }
0x69: {  	_ =	shalt  }
0x6a: {  	_ =	shalt  }
0x6b: {  	_ =	shalt  }
0x6c: {  	_ =	shalt  }
0x6d: {  	_ =	shalt  }
0x6e: {  	_ =	shalt  }
0x6f: {  	_ =	shalt  }
0x70: {  	_ =	shalt  }
0x71: {  	_ =	shalt  }
0x72: {  	_ =	shalt  }
0x73: {  	_ =	shalt  }
0x74: {  	_ =	shalt  }
0x75: {  	_ =	shalt  }
0x76: {  	_ =	shalt  }
0x77: {  	_ =	shalt  }
0x78: {  	_ =	shalt  }
0x79: {  	_ =	shalt  }
0x7a: {  	_ =	shalt  }
0x7b: {  	_ =	shalt  }
0x7c: {  	_ =	shalt  }
0x7d: {  	_ =	shalt  }
0x7e: {  	_ =	shalt  }
0x7f: {  	_ =	shalt  }
0x80: {  	_ =	shalt  }
0x81: {  	_ =	shalt  }
0x82: {  	_ =	shalt  }
0x83: {  	_ =	shalt  }
0x84: {  	_ =	shalt  }
0x85: {  	_ =	shalt  }
0x86: {  	_ =	shalt  }
0x87: {  	_ =	shalt  }
.Lfunc_end0:
.L_simem_size_0:
called_computation_lowered:
.L_overlay_start_0:
0x88: {  	s2 =	sld [smem:$0x3FD9]  }
0x89: {  	s3 =	sld [smem:$0x3FFE];
	_ =	sdelay $0x1  }
0x8a: {  	s1 =	srdreg.scid  }
0x8b: {  	s0 =	sand.u32 $0x1, s1  }
0x8c: {  	s18 =	sshll.u32 s0, $0xA;
	s2 =	sadd.s32 s3, s2  }
0x8d: {  	s2 =	sadd.s32 s2, s18  }
0x8e: {  	[smem:$0x3FC4] =	sst s2  }
0x8f: {  	_ = 	snop  }
0x90: {  	s2 =	sld [smem:$0x3FC9]  }
0x91: {  	s19 =	sld [smem:$0x3FC8]  }
0x92: {  	s4 =	sld [smem:$0x3FC7]  }
0x93: {  	s5 =	sld [smem:$0x3FD0];
	(tm) =	ssettm $0x1  }
0x94: {  	s6 =	sld [smem:$0x3FFB];
	_ =	sdelay $0x3  }
0x95: {  	_ =	strace s6  }
0x96: {  	s6 =	sld [smem:$0x3FFC];
	_ =	sdelay $0x3  }
0x97: {  	_ =	strace s6  }
0x98: {  	s6 =	sld [smem:$0x3FFD];
	_ =	sdelay $0x3  }
0x99: {  	_ =	strace s6  }
0x9a: {  	_ =	strace $0x8FFFFFFF  }
0x9b: {  	s20 =	sld [smem:$0x3FDB];
	_ =	sdelay $0x1  }
0x9c: {  	s7 =	simm.s32 $_scs_section_size  }
0x9d: {  	s8 =	simm.s32 $_size__tile_overlayer_lowered;
	s9 =	simm.s32 $_tile_overlayer_lowered  }
0x9e: {  	s23 =	simm.s32 $0x1BFF;
	s22 =	sshll.u32 s9, $0x1;
	s6 =	sadd.s32 s7, s20  }
0x9f: {  	s10 =	simm.s32 $0x0;
	s21 =	sshll.u32 s8, $0x1;
	s8 =	sadd.s32 s22, s6  }
0xa0: {  	[timem:s10], [sflag:s23] =	dma.local [hbm:s8], s21  }
0xa1: {  	_ =	swait.ge [sflag:s23], s21  }
0xa2: {  	s7 =	ssub.s32 $0x0, s21;
	[sflag:s23] =	ssyncset.done $0x0  }
0xa3: {  	[sflag:s23] =	ssyncadd.s32 s7;
	_ =	sdelay $0x1  }
0xa4: {  	s24 =	simm.s32 $0x1B8B  }
0xa5: {  	_ =	swait.ge [sflag:s24], $0x1  }
0xa6: {  	[sflag:s24] =	ssyncset.done $0x0  }
0xa7: {  	s25 =	simm.s32 $0x1B8E;
	[sflag:s24] =	ssyncadd.s32 $0xFFFFFFFF  }
0xa8: {  	s26 =	simm.s32 $execute0_lowered;
	[smem:$0x3FD2] =	sst s25  }
0xa9: {  	s7 =	sshll.u32 s26, $0x1;
	_ =	strace $0x80000046;
	[dreg:$0x1] =	wrdreg $0xFFFFFFFF  }
0xaa: {  	s28 =	simm.s32 $_size_execute0_lowered;
	s6 =	sadd.s32 s6, s7;
	[dreg:$0x0] =	wrdreg $0x0  }
0xab: {  	s7 =	sshll.u32 s28, $0x1;
	[dreg:$0x2] =	wrdreg s6  }
0xac: {  	[dreg:$0x3] =	wrdreg s7  }
0xad: {  	[dreg:$0x4] =	wrdreg $0xC0  }
0xae: {  	_ =	task [dreg:s10], $0x5FFFF  }
0xaf: {  	[dreg:$0x1] =	wrdreg $0xFFFFFFFF  }
0xb0: {  	[dreg:$0x0] =	wrdreg $0x60  }
0xb1: {  	[dreg:$0x2] =	wrdreg s2  }
0xb2: {  	[dreg:$0x3] =	wrdreg s19  }
0xb3: {  	[dreg:$0x4] =	wrdreg s4  }
0xb4: {  	[dreg:$0x5] =	wrdreg s5  }
0xb5: {  	[dreg:$0x6] =	wrdreg $0x9  }
0xb6: {  	_ =	task.clear_ibuf [dreg:s10], $0x7FFFF;
	_ =	strace $0x90000046  }
0xb7: {  	s29 =	simm.s32 $0x9;
	_ =	strace $0x80000048  }
0xb8: {  	_ =	swait.ge [sflag:s29], $0x1  }
0xb9: {  	[sflag:s29] =	ssyncadd.s32 $0xFFFFFFFF  }
0xba: {  	_ =	strace $0x90000048  }
0xbb: {  	_ =	sfence  }
0xbc: {  	s30 =	sld [smem:$0x0];
	_ =	sdelay $0x2  }
0xbd: {  	s31 =	sshll.u32 s1, $0xD;
	s1 =	sshrl.u32 s1, $0x2  }
0xbe: {  	s3 =	sand.u32 $0x4000, s31;
	s1 =	sadd.s32 s1, s30  }
0xbf: {  	s0 =	sor.u32 s3, s0;
	s1 =	sshll.u32 s1, $0x11  }
0xc0: {  	s0 =	sor.u32 s1, s0  }
0xc1: {  	s0 =	sadd.s32 $0x8F2B, s0  }
0xc2: {  	[sflag:s0] =	ssyncadd.remote.s32 $0x1  }
0xc3: {  	_ =	sfence.sel $0xFFFF  }
0xc4: {  	[dreg:$0x0] =	wrdreg $0xFFFFFFFF;
	(pc) =	sbr.abs _section_cstart, $3  }
0xc5: {  	[dreg:$0x1] =	wrdreg $0xFFFFFFFF  }
0xc6: {  	_ =	task.clear_ibuf [dreg:s10], $0x2FFFF;
	_ =	strace $0x9FFFFFFF  }
0xc7: {  	(tm) =	ssettm $0x7FFFFFFF  }
tec
execute0_lowered:
.L_overlay_start_1:
0x0: {  	(tag) =	ssettag $0x1  }
0x1: {  	s4 =	rddreg [dreg:$0x0]  }
0x2: {  	s5 =	rddreg [dreg:$0x1]  }
0x3: {  	s1 =	rddreg [dreg:$0x2]  }
0x4: {  	s6 =	rddreg [dreg:$0x3]  }
0x5: {  	s0 =	rddreg [dreg:$0x4];
	s7 =	srdreg.scid  }
0x6: {  	s3 =	simm.s32 $0x0;
	s2 =	stileid.u32;
	s11 =	simm.s32 $0x2  }
0x7: {  	s12 =	simm.s32 $0x600;
	s13 =	simm.s32 $0x3;
	s7 =	sand.u32 $0x1, s7  }
0x8: {  	s9 =	sshll.u32 s2, $0x7;
	[smem:$0x7FF] =	sst s3;
	s8 =	ssub.s32 $0x2, s7  }
0x9: {  	s7 =	sshll.u32 s7, $0x6;
	_ =	strace $0x80000047;
	s10 =	sshrl.u32 s8, $0x1  }
0xa: {  	s7 =	sor.u32 s7, s9;
	s9 =	simm.s32 $0x1;
	s8 =	ssub.s32 s8, s10  }
0xb: {  	s4 =	sadd.s32 s4, s7;
	s5 =	sadd.s32 s5, s7;
	s6 =	sadd.s32 s6, s7  }
0xc: {  	s10 =	simm.s32 $0x400;
	s7 =	smax.u32 s8, $0x1;
	s8 =	simm.s32 $0x200  }
.LBB2_1:
0xd: {  	[tilespmem:s3], [sflag:$0x1] =	stream.linear.gather [hbm4b:s4+s3], $0x200, $0x38;
	[tilespmem:$0x800] =	vst v63  }
0xe: {  	_ = 	snop  }
0xf: {  	[tilespmem:s8], [sflag:$0x2] =	stream.linear.gather [hbm4b:s5+s3], $0x200, $0x38;
	[tilespmem:$0x800] =	vst v63  }
0x10: {  	_ =	swait.ge [sflag:s9], $0x200  }
0x11: {  	[sflag:s9] =	ssyncset.done $0x0  }
0x12: {  	[sflag:s9] =	ssyncadd.s32 $0xFFFFFE00  }
0x13: {  	[tilespmem:s10], [sflag:$0x1] =	stream.indirect.gather [hbm4b:s1+s8], $0x1, s3, s8, $0xb8;
	[tilespmem:$0x800] =	vst v63  }
0x14: {  	_ =	swait.ge [sflag:s11], $0x200  }
0x15: {  	[sflag:s11] =	ssyncset.done $0x0  }
0x16: {  	[sflag:s11] =	ssyncadd.s32 $0xFFFFFE00  }
0x17: {  	[tilespmem:s12], [sflag:$0x2] =	stream.indirect.gather [hbm4b:s1+s8], $0x1, s8, s8, $0xb8;
	[tilespmem:$0x800] =	vst v63  }
0x18: {  	_ =	swait.ge [sflag:s9], $0x200  }
0x19: {  	[sflag:s9] =	ssyncset.done $0x0  }
0x1a: {  	[sflag:s9] =	ssyncadd.s32 $0xFFFFFE00  }
0x1b: {  	_ =	swait.ge [sflag:s11], $0x200  }
0x1c: {  	[sflag:s11] =	ssyncset.done $0x0  }
0x1d: {  	[sflag:s11] =	ssyncadd.s32 $0xFFFFFE00  }
0x1e: {  	v0 =	vld [tilespmem:$0x400]  }
0x1f: {  	v1 =	vld [tilespmem:$0x600]  }
0x20: {  	v2 =	vld [tilespmem:$0x410]  }
0x21: {  	v3 =	vld [tilespmem:$0x610]  }
0x22: {  	v4 =	vld [tilespmem:$0x420]  }
0x23: {  	v5 =	vld [tilespmem:$0x620]  }
0x24: {  	v6 =	vld [tilespmem:$0x430]  }
0x25: {  	v7 =	vld [tilespmem:$0x630]  }
0x26: {  	v8 =	vld [tilespmem:$0x440]  }
0x27: {  	v9 =	vld [tilespmem:$0x640]  }
0x28: {  	v10 =	vld [tilespmem:$0x450]  }
0x29: {  	v11 =	vld [tilespmem:$0x650]  }
0x2a: {  	v12 =	vld [tilespmem:$0x460]  }
0x2b: {  	v13 =	vld [tilespmem:$0x660]  }
0x2c: {  	v14 =	vld [tilespmem:$0x470]  }
0x2d: {  	v15 =	vld [tilespmem:$0x670]  }
0x2e: {  	v16 =	vld [tilespmem:$0x480]  }
0x2f: {  	v17 =	vld [tilespmem:$0x680]  }
0x30: {  	v18 =	vld [tilespmem:$0x490]  }
0x31: {  	v19 =	vld [tilespmem:$0x690]  }
0x32: {  	v20 =	vld [tilespmem:$0x4A0]  }
0x33: {  	v21 =	vld [tilespmem:$0x6A0]  }
0x34: {  	v22 =	vld [tilespmem:$0x4B0]  }
0x35: {  	v23 =	vld [tilespmem:$0x6B0]  }
0x36: {  	v24 =	vld [tilespmem:$0x4C0]  }
0x37: {  	v25 =	vld [tilespmem:$0x6C0]  }
0x38: {  	v26 =	vld [tilespmem:$0x4D0]  }
0x39: {  	v44 =	vld [tilespmem:$0x6D0]  }
0x3a: {  	v45 =	vld [tilespmem:$0x4E0]  }
0x3b: {  	v28 =	vld [tilespmem:$0x6E0]  }
0x3c: {  	v46 =	vld [tilespmem:$0x4F0]  }
0x3d: {  	v47 =	vld [tilespmem:$0x6F0]  }
0x3e: {  	v49 =	vld [tilespmem:$0x500]  }
0x3f: {  	v50 =	vld [tilespmem:$0x700]  }
0x40: {  	v51 =	vld [tilespmem:$0x510]  }
0x41: {  	v53 =	vld [tilespmem:$0x710];
	v0 =	vadd.f32 v1, v0;
	v2 =	vadd.f32 v3, v2  }
0x42: {  	v55 =	vld [tilespmem:$0x520];
	v4 =	vadd.f32 v5, v4;
	v6 =	vadd.f32 v7, v6  }
0x43: {  	v31 =	vld [tilespmem:$0x720];
	v8 =	vadd.f32 v9, v8;
	v10 =	vadd.f32 v11, v10  }
0x44: {  	v36 =	vld [tilespmem:$0x560];
	v12 =	vadd.f32 v13, v12;
	v14 =	vadd.f32 v15, v14  }
0x45: {  	v39 =	vld [tilespmem:$0x760];
	v16 =	vadd.f32 v17, v16;
	v18 =	vadd.f32 v19, v18  }
0x46: {  	v20 =	vadd.f32 v21, v20;
	v62 =	vadd.f32 v23, v22  }
0x47: {  	v33 =	vadd.f32 v25, v24;
	v1 =	vadd.f32 v44, v26  }
0x48: {  	v3 =	vadd.f32 v28, v45;
	v5 =	vadd.f32 v47, v46  }
0x49: {  	v9 =	vadd.f32 v50, v49;
	v49 =	vadd.f32 v53, v51  }
0x4a: {  	v53 =	vadd.f32 v31, v55;
	v31 =	vadd.f32 v39, v36  }
0x4b: {  	v27 =	vadd.f32 $-6.283185480e+00, v0;
	v29 =	vadd.f32 $-6.283185480e+00, v2;
	vm0 =	vge.f32 v0, $6.283185480e+00  }
0x4c: {  	vm1 =	vge.f32 v2, $6.283185480e+00;
	v48 =	vadd.f32 $-6.283185480e+00, v4;
	vm10 =	vge.f32 v4, $6.283185480e+00  }
0x4d: {  	v58 =	vld [tilespmem:$0x530];
	v30 =	vadd.f32 $-6.283185480e+00, v6;
	vm11 =	vge.f32 v6, $6.283185480e+00;
	v52 =	vadd.f32 $-6.283185480e+00, v8  }
0x4e: {  	v59 =	vld [tilespmem:$0x730];
	vm12 =	vge.f32 v8, $6.283185480e+00;
	v54 =	vadd.f32 $-6.283185480e+00, v10;
	vm13 =	vge.f32 v10, $6.283185480e+00  }
0x4f: {  	v34 =	vld [tilespmem:$0x750];
	v56 =	vadd.f32 $-6.283185480e+00, v12;
	v57 =	vadd.f32 $-6.283185480e+00, v14;
	vm14 =	vge.f32 v12, $6.283185480e+00  }
0x50: {  	v41 =	vld [tilespmem:$0x570];
	vm15 =	vge.f32 v14, $6.283185480e+00;
	v60 =	vadd.f32 $-6.283185480e+00, v16;
	v0 =	vsel vm0, v27, v0  }
0x51: {  	v42 =	vld [tilespmem:$0x770];
	vm4 =	vge.f32 v16, $6.283185480e+00;
	v32 =	vadd.f32 $-6.283185480e+00, v18;
	v2 =	vsel vm1, v29, v2;
	[tilespmem:$0x400] =	vst v0  }
0x52: {  	v21 =	vld [tilespmem:$0x740];
	vm5 =	vge.f32 v18, $6.283185480e+00;
	vm6 =	vge.f32 v20, $6.283185480e+00;
	v4 =	vsel vm10, v48, v4;
	[tilespmem:$0x410] =	vst v2  }
0x53: {  	v22 =	vld [tilespmem:$0x550];
	v35 =	vadd.f32 $-6.283185480e+00, v62;
	vm7 =	vge.f32 v62, $6.283185480e+00;
	v6 =	vsel vm11, v30, v6;
	[tilespmem:$0x420] =	vst v4  }
0x54: {  	v45 =	vld [tilespmem:$0x580];
	v38 =	vadd.f32 $-6.283185480e+00, v33;
	v40 =	vadd.f32 $-6.283185480e+00, v1;
	v8 =	vsel vm12, v52, v8;
	[tilespmem:$0x430] =	vst v6  }
0x55: {  	v47 =	vld [tilespmem:$0x780];
	vm8 =	vge.f32 v33, $6.283185480e+00;
	vm9 =	vge.f32 v1, $6.283185480e+00;
	v10 =	vsel vm13, v54, v10;
	[tilespmem:$0x440] =	vst v8  }
0x56: {  	v50 =	vld [tilespmem:$0x590];
	v44 =	vadd.f32 $-6.283185480e+00, v3;
	v46 =	vadd.f32 $-6.283185480e+00, v5;
	v12 =	vsel vm14, v56, v12;
	[tilespmem:$0x450] =	vst v10  }
0x57: {  	v26 =	vld [tilespmem:$0x7B0];
	v55 =	vadd.f32 $-6.283185480e+00, v49;
	v36 =	vadd.f32 $-6.283185480e+00, v31;
	v14 =	vsel vm15, v57, v14;
	[tilespmem:$0x460] =	vst v12  }
0x58: {  	v30 =	vld [tilespmem:$0x540];
	v61 =	vsel vm4, v60, v16;
	v63 =	vsel vm5, v32, v18;
	v32 =	vadd.f32 $-6.283185480e+00, v20;
	[tilespmem:$0x470] =	vst v14  }
0x59: {  	v43 =	vsel vm8, v38, v33;
	v1 =	vsel vm9, v40, v1;
	vm10 =	vge.f32 v3, $6.283185480e+00;
	v54 =	vld [tilespmem:$0x790];
	[tilespmem:$0x480] =	vst v61  }
0x5a: {  	vm11 =	vge.f32 v5, $6.283185480e+00;
	v52 =	vadd.f32 $-6.283185480e+00, v9;
	vm12 =	vge.f32 v9, $6.283185480e+00;
	v57 =	vld [tilespmem:$0x5A0];
	[tilespmem:$0x490] =	vst v63  }
0x5b: {  	v56 =	vadd.f32 v59, v58;
	vm13 =	vge.f32 v49, $6.283185480e+00;
	v59 =	vadd.f32 $-6.283185480e+00, v53;
	v60 =	vld [tilespmem:$0x7A0];
	[tilespmem:$0x4C0] =	vst v43  }
0x5c: {  	vm14 =	vge.f32 v53, $6.283185480e+00;
	v38 =	vld [tilespmem:$0x7D0];
	v4 =	vsel vm7, v35, v62;
	v48 =	vsel vm10, v44, v3;
	[tilespmem:$0x4D0] =	vst v1  }
0x5d: {  	v40 =	vld [tilespmem:$0x5E0];
	v51 =	vsel vm11, v46, v5;
	v3 =	vsel vm13, v55, v49;
	v24 =	vadd.f32 v34, v22;
	[tilespmem:$0x4B0] =	vst v4  }
0x5e: {  	v63 =	vld [tilespmem:$0x5B0];
	v34 =	vadd.f32 v42, v41;
	v37 =	vsel vm6, v32, v20;
	v58 =	vsel vm12, v52, v9;
	[tilespmem:$0x4E0] =	vst v48  }
0x5f: {  	v35 =	vld [tilespmem:$0x5D0];
	v61 =	vadd.f32 $-6.283185480e+00, v56;
	vm15 =	vge.f32 v56, $6.283185480e+00;
	v5 =	vsel vm14, v59, v53;
	[tilespmem:$0x4F0] =	vst v51  }
0x60: {  	v43 =	vld [tilespmem:$0x7E0];
	vm6 =	vge.f32 v31, $6.283185480e+00;
	[tilespmem:$0x4A0] =	vst v37;
	vm5 =	vge.f32 v24, $6.283185480e+00;
	v37 =	vadd.f32 v47, v45  }
0x61: {  	[tilespmem:$0x510] =	vst v3;
	v39 =	vadd.f32 $-6.283185480e+00, v34;
	v41 =	vsel vm6, v36, v31;
	v62 =	vadd.f32 v21, v30  }
0x62: {  	v29 =	vld [tilespmem:$0x5C0];
	[tilespmem:$0x500] =	vst v58;
	vm7 =	vge.f32 v34, $6.283185480e+00;
	v30 =	vadd.f32 $-6.283185480e+00, v24;
	v8 =	vadd.f32 v54, v50  }
0x63: {  	v32 =	vld [tilespmem:$0x7C0];
	[tilespmem:$0x520] =	vst v5;
	v27 =	vsel vm15, v61, v56;
	v42 =	vadd.f32 $-6.283185480e+00, v37;
	v46 =	vadd.f32 v60, v57  }
0x64: {  	v49 =	vld [tilespmem:$0x7F0];
	[tilespmem:$0x560] =	vst v41;
	v44 =	vsel vm7, v39, v34;
	v48 =	vadd.f32 v26, v63;
	v54 =	vadd.f32 v38, v35  }
0x65: {  	v47 =	vld [tilespmem:$0x5F0];
	[tilespmem:$0x530] =	vst v27;
	vm8 =	vge.f32 v37, $6.283185480e+00;
	v55 =	vadd.f32 v43, v40;
	v28 =	vadd.f32 $-6.283185480e+00, v62  }
0x66: {  	[tilespmem:$0x570] =	vst v44;
	vm4 =	vge.f32 v62, $6.283185480e+00;
	v1 =	vsel vm5, v30, v24;
	v45 =	vadd.f32 $-6.283185480e+00, v8  }
0x67: {  	vm9 =	vge.f32 v8, $6.283185480e+00;
	v2 =	vsel vm8, v42, v37;
	v51 =	vadd.f32 $-6.283185480e+00, v46;
	[tilespmem:$0x550] =	vst v1  }
0x68: {  	vm10 =	vge.f32 v46, $6.283185480e+00;
	v52 =	vadd.f32 v32, v29;
	[tilespmem:$0x580] =	vst v2;
	v33 =	vsel vm4, v28, v62  }
0x69: {  	v53 =	vadd.f32 $-6.283185480e+00, v48;
	vm11 =	vge.f32 v48, $6.283185480e+00;
	v50 =	vsel vm9, v45, v8;
	[tilespmem:$0x540] =	vst v33  }
0x6a: {  	v57 =	vadd.f32 v49, v47;
	v58 =	vadd.f32 $-6.283185480e+00, v54;
	v0 =	vsel vm10, v51, v46;
	[tilespmem:$0x590] =	vst v50  }
0x6b: {  	vm13 =	vge.f32 v54, $6.283185480e+00;
	v60 =	vadd.f32 $-6.283185480e+00, v55;
	v1 =	vsel vm11, v53, v48;
	[tilespmem:$0x5A0] =	vst v0  }
0x6c: {  	vm14 =	vge.f32 v55, $6.283185480e+00;
	v56 =	vadd.f32 $-6.283185480e+00, v52;
	v61 =	vsel vm13, v58, v54;
	[tilespmem:$0x5B0] =	vst v1  }
0x6d: {  	vm12 =	vge.f32 v52, $6.283185480e+00;
	v62 =	vadd.f32 $-6.283185480e+00, v57;
	v63 =	vsel vm14, v60, v55;
	[tilespmem:$0x5D0] =	vst v61  }
0x6e: {  	vm15 =	vge.f32 v57, $6.283185480e+00;
	v59 =	vsel vm12, v56, v52;
	[tilespmem:$0x5E0] =	vst v63  }
0x6f: {  	p0 =	sne.s32 s7, $0x1;
	[tilespmem:$0x5C0] =	vst v59;
	v0 =	vsel vm15, v62, v57  }
.Ltmp0:
0x70: {  	[tilespmem:$0x5F0] =	vst v0;
	(pc) =	sbr.rel @p0 .LBB2_1-.Ltmp0, $4  }
0x71: {  	[hbm4b:s6+s3] =	stream.linear.scatter [tilespmem:s10], [sflag:$0x3], $0x200, $0x38;
	[tilespmem:$0x800] =	vst v63  }
0x72: {  	_ =	swait.ge [sflag:s13], $0x200  }
0x73: {  	[sflag:s13] =	ssyncset.done $0x0  }
0x74: {  	s7 =	sadd.s32 $0xFFFFFFFF, s7;
	[sflag:s13] =	ssyncadd.s32 $0xFFFFFE00  }
0x75: {  	_ =	sfence.sel $0x180000  }
0x76: {  	[bflag:$0x0] =	sbarrier.arrive $0xFFFF  }
0x77: {  	p0 =	sne.s32 s2, $0x0;
	_ =	strace $0x90000047  }
0x78: {  	s0 =	sadd.s32 @!p0 $0x100000, s0;
	[bflag:$0x2] =	sbarrier.arrive $0xFFFF  }
0x79: {  	[sflag:s0] =	ssyncadd.tile.s32 @!p0 $0x1;
	_ =	shalt  }
.Lfunc_end2:
_tile_overlayer_lowered:
.L_overlay_start_2:
0x7a: {  	(tag) =	ssettag $0x2  }
0x7b: {  	s0 =	rddreg [dreg:$0x0];
	s2 =	stileid.u32  }
0x7c: {  	s1 =	rddreg [dreg:$0x1];
	p0 =	sne.s32 s2, $0x0  }
0x7d: {  	s3 =	rddreg [dreg:$0x2];
	[bflag:$0x3] =	sbarrier.arrive $0xFFFF;
	s2 =	simm.s32 @!p0 $0x1C03  }
0x7e: {  	[timem:s3], [sflag:s2] =	dma.local @!p0 [hbm:s0], s1  }
0x7f: {  	s0 =	simm.s32 @!p0 $0x3  }
0x80: {  	_ =	swait.ge @!p0 [sflag:s0], s1  }
0x81: {  	s1 =	ssub.s32 @!p0 $0x0, s1;
	[sflag:s0] =	ssyncset.done @!p0 $0x0  }
0x82: {  	[sflag:s0] =	ssyncadd.s32 @!p0 s1  }
0x83: {  	[bflag:$0x3] =	sbarrier.arrive $0xFFFF  }
0x84: {  	_ =	shalt  }

</sc_bundles>
